<compile_context>
chip_gen: v7x
topology: tpu7x:2x2x1
jax: 0.10.2.dev20260603
libtpu: 0.0.44.dev20260713+nightly
codegen_flags: <defaults>
</compile_context>

<pallas_src>
import functools

import jax
import jax.numpy as jnp
from jax import lax
from jax.experimental import pallas as pl
from jax.experimental.pallas import tpu as pltpu
from jax.experimental.pallas import tpu_sc as plsc

_V = 8192
_ROWS = 8192
_NW = 32
_R_PER_W = _ROWS // _NW
_K = 4
_NCHUNK = _R_PER_W // _K
_NBUF = 3


def _make_gather():
  mesh = plsc.VectorSubcoreMesh(core_axis_name="c", subcore_axis_name="s")

  @functools.partial(
      pl.kernel,
      mesh=mesh,
      out_type=jax.ShapeDtypeStruct((_ROWS, _V), jnp.float32),
      scratch_types=[
          pltpu.VMEM((_NCHUNK, _K), jnp.int32),
          pltpu.VMEM((_NBUF, _K, _V), jnp.float32),
          pltpu.SemaphoreType.DMA,
          pltpu.SemaphoreType.DMA,
      ],
  )
  def gather_kernel(idx_hbm, table_hbm, out_hbm, idx_v, rows_v, gsem, ssem):
    wid = lax.axis_index("s") * 2 + lax.axis_index("c")
    base = wid * _R_PER_W
    pltpu.sync_copy(idx_hbm.at[wid], idx_v)

    def start_gather(t, buf):
      pltpu.async_copy(table_hbm.at[idx_v.at[t]], rows_v.at[buf], gsem)

    def start_scatter(t, buf):
      pltpu.async_copy(
          rows_v.at[buf], out_hbm.at[pl.ds(base + t * _K, _K)], ssem)

    def wait_gather(buf):
      pltpu.make_async_copy(
          table_hbm.at[pl.ds(0, _K)], rows_v.at[buf], gsem).wait()

    def wait_scatter(buf):
      pltpu.make_async_copy(
          rows_v.at[buf], out_hbm.at[pl.ds(base, _K)], ssem).wait()

    start_gather(0, 0)
    start_gather(1, 1)
    wait_gather(0)
    start_scatter(0, 0)
    start_gather(2, 2)
    wait_gather(1)
    start_scatter(1, 1)
    wait_scatter(0)
    start_gather(3, 0)

    def block(j, carry):
      t0 = 2 + j * _NBUF
      for b in range(_NBUF):
        t = t0 + b
        b_cur = (2 + b) % _NBUF
        b_next = (1 + b) % _NBUF
        wait_gather(b_cur)
        start_scatter(t, b_cur)
        wait_scatter(b_next)
        start_gather(t + 2, b_next)
      return carry

    lax.fori_loop(0, (_NCHUNK - 4) // _NBUF, block, 0)

    n = _NCHUNK
    wait_gather((n - 2) % _NBUF)
    start_scatter(n - 2, (n - 2) % _NBUF)
    wait_scatter((n - 3) % _NBUF)
    wait_gather((n - 1) % _NBUF)
    start_scatter(n - 1, (n - 1) % _NBUF)
    wait_scatter((n - 2) % _NBUF)
    wait_scatter((n - 1) % _NBUF)

  return gather_kernel


_gather = _make_gather()


def kernel(idx, logits_table):
  b, s = idx.shape
  idx3 = idx.reshape(_NW, _NCHUNK, _K).astype(jnp.int32)
  out = _gather(idx3, logits_table)
  return out.reshape(b, s, _V)

# --- scband reference (transcript-rebuilt; emitter-appended) ---
"""Pipeline reference for scband-bigram-37117107372136 (READ-ONLY COPY).

The authoritative reference and input builder live on the scoring server;
editing this copy changes nothing except your own understanding.
"""

import jax, jax.numpy as jnp
import numpy as np

VOCAB = 8192
BATCH = 4
SEQ = 2048

def setup_inputs(seed: int = 0) -> dict:
    key = jax.random.key(seed)
    k_idx, k_w = jax.random.split(key)
    idx = jax.random.randint(k_idx, (BATCH, SEQ), 0, VOCAB, dtype=jnp.int64 if jax.config.jax_enable_x64 else jnp.int32)
    # learned parameter: bigram logits table [vocab, vocab]
    # (module initializes to zeros; use small random values so the gather is nontrivial)
    logits_table = jax.random.normal(k_w, (VOCAB, VOCAB), dtype=jnp.float32) * 0.02
    return {"idx": idx, "logits_table": logits_table}

def reference(idx, logits_table):
    # Bigram.forward: logits = self.logits[idx]  -> row-gather from [V, V] table
    logits = jnp.take(logits_table, idx, axis=0)  # [B, S, V]
    return logits

if __name__ == "__main__":
    import jax
    _d = setup_inputs()
    print(jax.jit(kernel)(*tuple(_d.values())))

</pallas_src>

<mosaic_0001>
#map = affine_map<(d0, d1) -> (0, 0, 0)>
#map1 = affine_map<(d0, d1) -> (0, 0)>
module attributes {stable_mosaic.version = 14 : i64} {
  func.func @gather_kernel(%arg0: i32, %arg1: i32, %arg2: memref<32x64x4xi32, #tpu.memory_space<hbm>>, %arg3: memref<8192x8192xf32, #tpu.memory_space<hbm>>, %arg4: memref<8192x8192xf32, #tpu.memory_space<hbm>>, %arg5: memref<64x4xi32, #tpu.memory_space<vmem>>, %arg6: memref<3x4x8192xf32, #tpu.memory_space<vmem>>, %arg7: memref<!tpu.dma_semaphore, #tpu.memory_space<semaphore_mem>>, %arg8: memref<!tpu.dma_semaphore, #tpu.memory_space<semaphore_mem>>) attributes {dimension_semantics = [#tpu.dimension_semantics<core_parallel>, #tpu.dimension_semantics<subcore_parallel>], iteration_bounds = array<i64: 2, 16>, scalar_prefetch = 0 : i64, scratch_operands = 4 : i64, tpu.core_type = #tpu.core_type<sc_vector_subcore>, window_params = [{transform_indices = #map}, {transform_indices = #map1}, {transform_indices = #map1}]} {
    %mul3A = arith.constant 2 : i32
    %mul3A_0 = arith.muli %arg1, %mul3A : i32
    %add3A = arith.addi %mul3A_0, %arg0 : i32
    %mul3A_1 = arith.constant 256 : i32
    %mul3A_2 = arith.muli %add3A, %mul3A_1 : i32
    "tpu.region"() ({
      %run_scoped3A = tpu.sem_alloc : memref<!tpu.dma_semaphore, #tpu.memory_space<semaphore_mem>>
      %dma_start3A_226 = arith.constant 0 : i32
      %dma_start3A_227 = arith.constant 0 : i32
      %dma_start3A_228 = tpu.memref_slice %arg2[%add3A, %dma_start3A_226, %dma_start3A_227] : memref<32x64x4xi32, #tpu.memory_space<hbm>> -> memref<1x64x4xi32, #tpu.memory_space<hbm>>
      %dma_start3A_229 = tpu.memref_squeeze %dma_start3A_228 : memref<1x64x4xi32, #tpu.memory_space<hbm>> -> memref<64x4xi32, #tpu.memory_space<hbm>>
      %dma_start3A_230 = arith.constant 0 : i32
      %dma_start3A_231 = arith.constant 0 : i32
      %dma_start3A_232 = tpu.memref_slice %arg2[%add3A, %dma_start3A_230, %dma_start3A_231] : memref<32x64x4xi32, #tpu.memory_space<hbm>> -> memref<1x64x4xi32, #tpu.memory_space<hbm>>
      %dma_start3A_233 = tpu.memref_squeeze %dma_start3A_232 : memref<1x64x4xi32, #tpu.memory_space<hbm>> -> memref<64x4xi32, #tpu.memory_space<hbm>>
      tpu.enqueue_dma source(%dma_start3A_233 : memref<64x4xi32, #tpu.memory_space<hbm>>) target(%arg5 : memref<64x4xi32, #tpu.memory_space<vmem>>) target_semaphore(%run_scoped3A : memref<!tpu.dma_semaphore, #tpu.memory_space<semaphore_mem>>)
      %dma_wait3A_234 = arith.constant 0 : i32
      %dma_wait3A_235 = arith.constant 0 : i32
      %dma_wait3A_236 = tpu.memref_slice %arg2[%add3A, %dma_wait3A_234, %dma_wait3A_235] : memref<32x64x4xi32, #tpu.memory_space<hbm>> -> memref<1x64x4xi32, #tpu.memory_space<hbm>>
      %dma_wait3A_237 = tpu.memref_squeeze %dma_wait3A_236 : memref<1x64x4xi32, #tpu.memory_space<hbm>> -> memref<64x4xi32, #tpu.memory_space<hbm>>
      %dma_wait3A_238 = arith.constant 0 : i32
      %dma_wait3A_239 = arith.constant 0 : i32
      %dma_wait3A_240 = tpu.memref_slice %arg2[%add3A, %dma_wait3A_238, %dma_wait3A_239] : memref<32x64x4xi32, #tpu.memory_space<hbm>> -> memref<1x64x4xi32, #tpu.memory_space<hbm>>
      %dma_wait3A_241 = tpu.memref_squeeze %dma_wait3A_240 : memref<1x64x4xi32, #tpu.memory_space<hbm>> -> memref<64x4xi32, #tpu.memory_space<hbm>>
      tpu.wait_dma2 semaphore(%run_scoped3A : memref<!tpu.dma_semaphore, #tpu.memory_space<semaphore_mem>>) src(%dma_wait3A_241 : memref<64x4xi32, #tpu.memory_space<hbm>>) dst(%arg5 : memref<64x4xi32, #tpu.memory_space<vmem>>)
      tpu.yield
    }) : () -> ()
    %dma_start3A = arith.constant 0 : i32
    %dma_start3A_3 = arith.constant 0 : i32
    %dma_start3A_4 = arith.constant 0 : i32
    %dma_start3A_5 = arith.constant 0 : i32
    %dma_start3A_6 = tpu.memref_slice %arg6[%dma_start3A_3, %dma_start3A_4, %dma_start3A_5] : memref<3x4x8192xf32, #tpu.memory_space<vmem>> -> memref<1x4x8192xf32, #tpu.memory_space<vmem>>
    %dma_start3A_7 = tpu.memref_squeeze %dma_start3A_6 : memref<1x4x8192xf32, #tpu.memory_space<vmem>> -> memref<4x8192xf32, #tpu.memory_space<vmem>>
    %dma_start3A_8 = arith.constant 0 : i32
    %dma_start3A_9 = tpu.memref_slice %arg5[%dma_start3A, %dma_start3A_8] : memref<64x4xi32, #tpu.memory_space<vmem>> -> memref<1x4xi32, #tpu.memory_space<vmem>>
    %dma_start3A_10 = tpu.memref_squeeze %dma_start3A_9 : memref<1x4xi32, #tpu.memory_space<vmem>> -> memref<4xi32, #tpu.memory_space<vmem>>
    %dma_start3A_11 = arith.constant 0 : i32
    %dma_start3A_12 = arith.constant 0 : i32
    %dma_start3A_13 = tpu.memref_slice %arg3[%dma_start3A_11, %dma_start3A_12] : memref<8192x8192xf32, #tpu.memory_space<hbm>> -> memref<8192x8192xf32, #tpu.memory_space<hbm>>
    tpu.enqueue_indirect_dma source(%dma_start3A_13 : memref<8192x8192xf32, #tpu.memory_space<hbm>>) target(%dma_start3A_7 : memref<4x8192xf32, #tpu.memory_space<vmem>>) offsets(%dma_start3A_10 : memref<4xi32, #tpu.memory_space<vmem>>) semaphore(%arg7 : memref<!tpu.dma_semaphore, #tpu.memory_space<semaphore_mem>>)
    %dma_start3A_14 = arith.constant 1 : i32
    %dma_start3A_15 = arith.constant 1 : i32
    %dma_start3A_16 = arith.constant 0 : i32
    %dma_start3A_17 = arith.constant 0 : i32
    %dma_start3A_18 = tpu.memref_slice %arg6[%dma_start3A_15, %dma_start3A_16, %dma_start3A_17] : memref<3x4x8192xf32, #tpu.memory_space<vmem>> -> memref<1x4x8192xf32, #tpu.memory_space<vmem>>
    %dma_start3A_19 = tpu.memref_squeeze %dma_start3A_18 : memref<1x4x8192xf32, #tpu.memory_space<vmem>> -> memref<4x8192xf32, #tpu.memory_space<vmem>>
    %dma_start3A_20 = arith.constant 0 : i32
    %dma_start3A_21 = tpu.memref_slice %arg5[%dma_start3A_14, %dma_start3A_20] : memref<64x4xi32, #tpu.memory_space<vmem>> -> memref<1x4xi32, #tpu.memory_space<vmem>>
    %dma_start3A_22 = tpu.memref_squeeze %dma_start3A_21 : memref<1x4xi32, #tpu.memory_space<vmem>> -> memref<4xi32, #tpu.memory_space<vmem>>
    %dma_start3A_23 = arith.constant 0 : i32
    %dma_start3A_24 = arith.constant 0 : i32
    %dma_start3A_25 = tpu.memref_slice %arg3[%dma_start3A_23, %dma_start3A_24] : memref<8192x8192xf32, #tpu.memory_space<hbm>> -> memref<8192x8192xf32, #tpu.memory_space<hbm>>
    tpu.enqueue_indirect_dma source(%dma_start3A_25 : memref<8192x8192xf32, #tpu.memory_space<hbm>>) target(%dma_start3A_19 : memref<4x8192xf32, #tpu.memory_space<vmem>>) offsets(%dma_start3A_22 : memref<4xi32, #tpu.memory_space<vmem>>) semaphore(%arg7 : memref<!tpu.dma_semaphore, #tpu.memory_space<semaphore_mem>>)
    %dma_wait3A = arith.constant 0 : i32
    %dma_wait3A_26 = arith.constant 0 : i32
    %dma_wait3A_27 = arith.constant 0 : i32
    %dma_wait3A_28 = tpu.memref_slice %arg6[%dma_wait3A, %dma_wait3A_26, %dma_wait3A_27] : memref<3x4x8192xf32, #tpu.memory_space<vmem>> -> memref<1x4x8192xf32, #tpu.memory_space<vmem>>
    %dma_wait3A_29 = tpu.memref_squeeze %dma_wait3A_28 : memref<1x4x8192xf32, #tpu.memory_space<vmem>> -> memref<4x8192xf32, #tpu.memory_space<vmem>>
    %dma_wait3A_30 = arith.constant 0 : i32
    %dma_wait3A_31 = arith.constant 0 : i32
    %dma_wait3A_32 = tpu.memref_slice %arg3[%dma_wait3A_30, %dma_wait3A_31] : memref<8192x8192xf32, #tpu.memory_space<hbm>> -> memref<4x8192xf32, #tpu.memory_space<hbm>>
    %dma_wait3A_33 = arith.constant 0 : i32
    %dma_wait3A_34 = arith.constant 0 : i32
    %dma_wait3A_35 = tpu.memref_slice %arg6[%dma_wait3A, %dma_wait3A_33, %dma_wait3A_34] : memref<3x4x8192xf32, #tpu.memory_space<vmem>> -> memref<1x4x8192xf32, #tpu.memory_space<vmem>>
    %dma_wait3A_36 = tpu.memref_squeeze %dma_wait3A_35 : memref<1x4x8192xf32, #tpu.memory_space<vmem>> -> memref<4x8192xf32, #tpu.memory_space<vmem>>
    %dma_wait3A_37 = arith.constant 0 : i32
    %dma_wait3A_38 = arith.constant 0 : i32
    %dma_wait3A_39 = tpu.memref_slice %arg3[%dma_wait3A_37, %dma_wait3A_38] : memref<8192x8192xf32, #tpu.memory_space<hbm>> -> memref<4x8192xf32, #tpu.memory_space<hbm>>
    tpu.wait_dma2 semaphore(%arg7 : memref<!tpu.dma_semaphore, #tpu.memory_space<semaphore_mem>>) src(%dma_wait3A_39 : memref<4x8192xf32, #tpu.memory_space<hbm>>) dst(%dma_wait3A_36 : memref<4x8192xf32, #tpu.memory_space<vmem>>)
    %add3A_40 = arith.constant 0 : i32
    %add3A_41 = arith.addi %mul3A_2, %add3A_40 : i32
    %dma_start3A_42 = arith.constant 0 : i32
    %dma_start3A_43 = arith.constant 0 : i32
    %dma_start3A_44 = arith.constant 0 : i32
    %dma_start3A_45 = tpu.memref_slice %arg6[%dma_start3A_42, %dma_start3A_43, %dma_start3A_44] : memref<3x4x8192xf32, #tpu.memory_space<vmem>> -> memref<1x4x8192xf32, #tpu.memory_space<vmem>>
    %dma_start3A_46 = tpu.memref_squeeze %dma_start3A_45 : memref<1x4x8192xf32, #tpu.memory_space<vmem>> -> memref<4x8192xf32, #tpu.memory_space<vmem>>
    %dma_start3A_47 = arith.constant 0 : i32
    %dma_start3A_48 = tpu.memref_slice %arg4[%add3A_41, %dma_start3A_47] : memref<8192x8192xf32, #tpu.memory_space<hbm>> -> memref<4x8192xf32, #tpu.memory_space<hbm>>
    %dma_start3A_49 = arith.constant 0 : i32
    %dma_start3A_50 = tpu.memref_slice %arg4[%add3A_41, %dma_start3A_49] : memref<8192x8192xf32, #tpu.memory_space<hbm>> -> memref<4x8192xf32, #tpu.memory_space<hbm>>
    %dma_start3A_51 = arith.constant 0 : i32
    %dma_start3A_52 = arith.constant 0 : i32
    %dma_start3A_53 = tpu.memref_slice %arg6[%dma_start3A_42, %dma_start3A_51, %dma_start3A_52] : memref<3x4x8192xf32, #tpu.memory_space<vmem>> -> memref<1x4x8192xf32, #tpu.memory_space<vmem>>
    %dma_start3A_54 = tpu.memref_squeeze %dma_start3A_53 : memref<1x4x8192xf32, #tpu.memory_space<vmem>> -> memref<4x8192xf32, #tpu.memory_space<vmem>>
    tpu.enqueue_dma source(%dma_start3A_54 : memref<4x8192xf32, #tpu.memory_space<vmem>>) target(%dma_start3A_50 : memref<4x8192xf32, #tpu.memory_space<hbm>>) target_semaphore(%arg8 : memref<!tpu.dma_semaphore, #tpu.memory_space<semaphore_mem>>)
    %dma_start3A_55 = arith.constant 2 : i32
    %dma_start3A_56 = arith.constant 2 : i32
    %dma_start3A_57 = arith.constant 0 : i32
    %dma_start3A_58 = arith.constant 0 : i32
    %dma_start3A_59 = tpu.memref_slice %arg6[%dma_start3A_56, %dma_start3A_57, %dma_start3A_58] : memref<3x4x8192xf32, #tpu.memory_space<vmem>> -> memref<1x4x8192xf32, #tpu.memory_space<vmem>>
    %dma_start3A_60 = tpu.memref_squeeze %dma_start3A_59 : memref<1x4x8192xf32, #tpu.memory_space<vmem>> -> memref<4x8192xf32, #tpu.memory_space<vmem>>
    %dma_start3A_61 = arith.constant 0 : i32
    %dma_start3A_62 = tpu.memref_slice %arg5[%dma_start3A_55, %dma_start3A_61] : memref<64x4xi32, #tpu.memory_space<vmem>> -> memref<1x4xi32, #tpu.memory_space<vmem>>
    %dma_start3A_63 = tpu.memref_squeeze %dma_start3A_62 : memref<1x4xi32, #tpu.memory_space<vmem>> -> memref<4xi32, #tpu.memory_space<vmem>>
    %dma_start3A_64 = arith.constant 0 : i32
    %dma_start3A_65 = arith.constant 0 : i32
    %dma_start3A_66 = tpu.memref_slice %arg3[%dma_start3A_64, %dma_start3A_65] : memref<8192x8192xf32, #tpu.memory_space<hbm>> -> memref<8192x8192xf32, #tpu.memory_space<hbm>>
    tpu.enqueue_indirect_dma source(%dma_start3A_66 : memref<8192x8192xf32, #tpu.memory_space<hbm>>) target(%dma_start3A_60 : memref<4x8192xf32, #tpu.memory_space<vmem>>) offsets(%dma_start3A_63 : memref<4xi32, #tpu.memory_space<vmem>>) semaphore(%arg7 : memref<!tpu.dma_semaphore, #tpu.memory_space<semaphore_mem>>)
    %dma_wait3A_67 = arith.constant 1 : i32
    %dma_wait3A_68 = arith.constant 0 : i32
    %dma_wait3A_69 = arith.constant 0 : i32
    %dma_wait3A_70 = tpu.memref_slice %arg6[%dma_wait3A_67, %dma_wait3A_68, %dma_wait3A_69] : memref<3x4x8192xf32, #tpu.memory_space<vmem>> -> memref<1x4x8192xf32, #tpu.memory_space<vmem>>
    %dma_wait3A_71 = tpu.memref_squeeze %dma_wait3A_70 : memref<1x4x8192xf32, #tpu.memory_space<vmem>> -> memref<4x8192xf32, #tpu.memory_space<vmem>>
    %dma_wait3A_72 = arith.constant 0 : i32
    %dma_wait3A_73 = arith.constant 0 : i32
    %dma_wait3A_74 = tpu.memref_slice %arg3[%dma_wait3A_72, %dma_wait3A_73] : memref<8192x8192xf32, #tpu.memory_space<hbm>> -> memref<4x8192xf32, #tpu.memory_space<hbm>>
    %dma_wait3A_75 = arith.constant 0 : i32
    %dma_wait3A_76 = arith.constant 0 : i32
    %dma_wait3A_77 = tpu.memref_slice %arg6[%dma_wait3A_67, %dma_wait3A_75, %dma_wait3A_76] : memref<3x4x8192xf32, #tpu.memory_space<vmem>> -> memref<1x4x8192xf32, #tpu.memory_space<vmem>>
    %dma_wait3A_78 = tpu.memref_squeeze %dma_wait3A_77 : memref<1x4x8192xf32, #tpu.memory_space<vmem>> -> memref<4x8192xf32, #tpu.memory_space<vmem>>
    %dma_wait3A_79 = arith.constant 0 : i32
    %dma_wait3A_80 = arith.constant 0 : i32
    %dma_wait3A_81 = tpu.memref_slice %arg3[%dma_wait3A_79, %dma_wait3A_80] : memref<8192x8192xf32, #tpu.memory_space<hbm>> -> memref<4x8192xf32, #tpu.memory_space<hbm>>
    tpu.wait_dma2 semaphore(%arg7 : memref<!tpu.dma_semaphore, #tpu.memory_space<semaphore_mem>>) src(%dma_wait3A_81 : memref<4x8192xf32, #tpu.memory_space<hbm>>) dst(%dma_wait3A_78 : memref<4x8192xf32, #tpu.memory_space<vmem>>)
    %add3A_82 = arith.constant 4 : i32
    %add3A_83 = arith.addi %mul3A_2, %add3A_82 : i32
    %dma_start3A_84 = arith.constant 1 : i32
    %dma_start3A_85 = arith.constant 0 : i32
    %dma_start3A_86 = arith.constant 0 : i32
    %dma_start3A_87 = tpu.memref_slice %arg6[%dma_start3A_84, %dma_start3A_85, %dma_start3A_86] : memref<3x4x8192xf32, #tpu.memory_space<vmem>> -> memref<1x4x8192xf32, #tpu.memory_space<vmem>>
    %dma_start3A_88 = tpu.memref_squeeze %dma_start3A_87 : memref<1x4x8192xf32, #tpu.memory_space<vmem>> -> memref<4x8192xf32, #tpu.memory_space<vmem>>
    %dma_start3A_89 = arith.constant 0 : i32
    %dma_start3A_90 = tpu.memref_slice %arg4[%add3A_83, %dma_start3A_89] : memref<8192x8192xf32, #tpu.memory_space<hbm>> -> memref<4x8192xf32, #tpu.memory_space<hbm>>
    %dma_start3A_91 = arith.constant 0 : i32
    %dma_start3A_92 = tpu.memref_slice %arg4[%add3A_83, %dma_start3A_91] : memref<8192x8192xf32, #tpu.memory_space<hbm>> -> memref<4x8192xf32, #tpu.memory_space<hbm>>
    %dma_start3A_93 = arith.constant 0 : i32
    %dma_start3A_94 = arith.constant 0 : i32
    %dma_start3A_95 = tpu.memref_slice %arg6[%dma_start3A_84, %dma_start3A_93, %dma_start3A_94] : memref<3x4x8192xf32, #tpu.memory_space<vmem>> -> memref<1x4x8192xf32, #tpu.memory_space<vmem>>
    %dma_start3A_96 = tpu.memref_squeeze %dma_start3A_95 : memref<1x4x8192xf32, #tpu.memory_space<vmem>> -> memref<4x8192xf32, #tpu.memory_space<vmem>>
    tpu.enqueue_dma source(%dma_start3A_96 : memref<4x8192xf32, #tpu.memory_space<vmem>>) target(%dma_start3A_92 : memref<4x8192xf32, #tpu.memory_space<hbm>>) target_semaphore(%arg8 : memref<!tpu.dma_semaphore, #tpu.memory_space<semaphore_mem>>)
    %dma_wait3A_97 = arith.constant 0 : i32
    %dma_wait3A_98 = arith.constant 0 : i32
    %dma_wait3A_99 = arith.constant 0 : i32
    %dma_wait3A_100 = tpu.memref_slice %arg6[%dma_wait3A_97, %dma_wait3A_98, %dma_wait3A_99] : memref<3x4x8192xf32, #tpu.memory_space<vmem>> -> memref<1x4x8192xf32, #tpu.memory_space<vmem>>
    %dma_wait3A_101 = tpu.memref_squeeze %dma_wait3A_100 : memref<1x4x8192xf32, #tpu.memory_space<vmem>> -> memref<4x8192xf32, #tpu.memory_space<vmem>>
    %dma_wait3A_102 = arith.constant 0 : i32
    %dma_wait3A_103 = tpu.memref_slice %arg4[%mul3A_2, %dma_wait3A_102] : memref<8192x8192xf32, #tpu.memory_space<hbm>> -> memref<4x8192xf32, #tpu.memory_space<hbm>>
    %dma_wait3A_104 = arith.constant 0 : i32
    %dma_wait3A_105 = tpu.memref_slice %arg4[%mul3A_2, %dma_wait3A_104] : memref<8192x8192xf32, #tpu.memory_space<hbm>> -> memref<4x8192xf32, #tpu.memory_space<hbm>>
    %dma_wait3A_106 = arith.constant 0 : i32
    %dma_wait3A_107 = arith.constant 0 : i32
    %dma_wait3A_108 = tpu.memref_slice %arg6[%dma_wait3A_97, %dma_wait3A_106, %dma_wait3A_107] : memref<3x4x8192xf32, #tpu.memory_space<vmem>> -> memref<1x4x8192xf32, #tpu.memory_space<vmem>>
    %dma_wait3A_109 = tpu.memref_squeeze %dma_wait3A_108 : memref<1x4x8192xf32, #tpu.memory_space<vmem>> -> memref<4x8192xf32, #tpu.memory_space<vmem>>
    tpu.wait_dma2 semaphore(%arg8 : memref<!tpu.dma_semaphore, #tpu.memory_space<semaphore_mem>>) src(%dma_wait3A_109 : memref<4x8192xf32, #tpu.memory_space<vmem>>) dst(%dma_wait3A_105 : memref<4x8192xf32, #tpu.memory_space<hbm>>)
    %dma_start3A_110 = arith.constant 3 : i32
    %dma_start3A_111 = arith.constant 0 : i32
    %dma_start3A_112 = arith.constant 0 : i32
    %dma_start3A_113 = arith.constant 0 : i32
    %dma_start3A_114 = tpu.memref_slice %arg6[%dma_start3A_111, %dma_start3A_112, %dma_start3A_113] : memref<3x4x8192xf32, #tpu.memory_space<vmem>> -> memref<1x4x8192xf32, #tpu.memory_space<vmem>>
    %dma_start3A_115 = tpu.memref_squeeze %dma_start3A_114 : memref<1x4x8192xf32, #tpu.memory_space<vmem>> -> memref<4x8192xf32, #tpu.memory_space<vmem>>
    %dma_start3A_116 = arith.constant 0 : i32
    %dma_start3A_117 = tpu.memref_slice %arg5[%dma_start3A_110, %dma_start3A_116] : memref<64x4xi32, #tpu.memory_space<vmem>> -> memref<1x4xi32, #tpu.memory_space<vmem>>
    %dma_start3A_118 = tpu.memref_squeeze %dma_start3A_117 : memref<1x4xi32, #tpu.memory_space<vmem>> -> memref<4xi32, #tpu.memory_space<vmem>>
    %dma_start3A_119 = arith.constant 0 : i32
    %dma_start3A_120 = arith.constant 0 : i32
    %dma_start3A_121 = tpu.memref_slice %arg3[%dma_start3A_119, %dma_start3A_120] : memref<8192x8192xf32, #tpu.memory_space<hbm>> -> memref<8192x8192xf32, #tpu.memory_space<hbm>>
    tpu.enqueue_indirect_dma source(%dma_start3A_121 : memref<8192x8192xf32, #tpu.memory_space<hbm>>) target(%dma_start3A_115 : memref<4x8192xf32, #tpu.memory_space<vmem>>) offsets(%dma_start3A_118 : memref<4xi32, #tpu.memory_space<vmem>>) semaphore(%arg7 : memref<!tpu.dma_semaphore, #tpu.memory_space<semaphore_mem>>)
    %scan3A = arith.constant 0 : i32
    %scan3A_122 = arith.constant 0 : i32
    %scan3A_123 = arith.constant 20 : i32
    %scan3A_124 = arith.addi %scan3A_122, %scan3A_123 : i32
    %scan3A_125 = arith.constant 1 : i32
    scf.for %scan3A_226 = %scan3A_122 to %scan3A_124 step %scan3A_125  : i32 {
      %mul3A_227 = arith.constant 3 : i32
      %mul3A_228 = arith.muli %scan3A_226, %mul3A_227 : i32
      %add3A_229 = arith.constant 2 : i32
      %add3A_230 = arith.addi %add3A_229, %mul3A_228 : i32
      %add3A_231 = arith.constant 0 : i32
      %add3A_232 = arith.addi %add3A_230, %add3A_231 : i32
      %dma_wait3A_233 = arith.constant 2 : i32
      %dma_wait3A_234 = arith.constant 0 : i32
      %dma_wait3A_235 = arith.constant 0 : i32
      %dma_wait3A_236 = tpu.memref_slice %arg6[%dma_wait3A_233, %dma_wait3A_234, %dma_wait3A_235] : memref<3x4x8192xf32, #tpu.memory_space<vmem>> -> memref<1x4x8192xf32, #tpu.memory_space<vmem>>
      %dma_wait3A_237 = tpu.memref_squeeze %dma_wait3A_236 : memref<1x4x8192xf32, #tpu.memory_space<vmem>> -> memref<4x8192xf32, #tpu.memory_space<vmem>>
      %dma_wait3A_238 = arith.constant 0 : i32
      %dma_wait3A_239 = arith.constant 0 : i32
      %dma_wait3A_240 = tpu.memref_slice %arg3[%dma_wait3A_238, %dma_wait3A_239] : memref<8192x8192xf32, #tpu.memory_space<hbm>> -> memref<4x8192xf32, #tpu.memory_space<hbm>>
      %dma_wait3A_241 = arith.constant 0 : i32
      %dma_wait3A_242 = arith.constant 0 : i32
      %dma_wait3A_243 = tpu.memref_slice %arg6[%dma_wait3A_233, %dma_wait3A_241, %dma_wait3A_242] : memref<3x4x8192xf32, #tpu.memory_space<vmem>> -> memref<1x4x8192xf32, #tpu.memory_space<vmem>>
      %dma_wait3A_244 = tpu.memref_squeeze %dma_wait3A_243 : memref<1x4x8192xf32, #tpu.memory_space<vmem>> -> memref<4x8192xf32, #tpu.memory_space<vmem>>
      %dma_wait3A_245 = arith.constant 0 : i32
      %dma_wait3A_246 = arith.constant 0 : i32
      %dma_wait3A_247 = tpu.memref_slice %arg3[%dma_wait3A_245, %dma_wait3A_246] : memref<8192x8192xf32, #tpu.memory_space<hbm>> -> memref<4x8192xf32, #tpu.memory_space<hbm>>
      tpu.wait_dma2 semaphore(%arg7 : memref<!tpu.dma_semaphore, #tpu.memory_space<semaphore_mem>>) src(%dma_wait3A_247 : memref<4x8192xf32, #tpu.memory_space<hbm>>) dst(%dma_wait3A_244 : memref<4x8192xf32, #tpu.memory_space<vmem>>)
      %mul3A_248 = arith.constant 4 : i32
      %mul3A_249 = arith.muli %add3A_232, %mul3A_248 : i32
      %add3A_250 = arith.addi %mul3A_2, %mul3A_249 : i32
      %dma_start3A_251 = arith.constant 2 : i32
      %dma_start3A_252 = arith.constant 0 : i32
      %dma_start3A_253 = arith.constant 0 : i32
      %dma_start3A_254 = tpu.memref_slice %arg6[%dma_start3A_251, %dma_start3A_252, %dma_start3A_253] : memref<3x4x8192xf32, #tpu.memory_space<vmem>> -> memref<1x4x8192xf32, #tpu.memory_space<vmem>>
      %dma_start3A_255 = tpu.memref_squeeze %dma_start3A_254 : memref<1x4x8192xf32, #tpu.memory_space<vmem>> -> memref<4x8192xf32, #tpu.memory_space<vmem>>
      %dma_start3A_256 = arith.constant 0 : i32
      %dma_start3A_257 = tpu.memref_slice %arg4[%add3A_250, %dma_start3A_256] : memref<8192x8192xf32, #tpu.memory_space<hbm>> -> memref<4x8192xf32, #tpu.memory_space<hbm>>
      %dma_start3A_258 = arith.constant 0 : i32
      %dma_start3A_259 = tpu.memref_slice %arg4[%add3A_250, %dma_start3A_258] : memref<8192x8192xf32, #tpu.memory_space<hbm>> -> memref<4x8192xf32, #tpu.memory_space<hbm>>
      %dma_start3A_260 = arith.constant 0 : i32
      %dma_start3A_261 = arith.constant 0 : i32
      %dma_start3A_262 = tpu.memref_slice %arg6[%dma_start3A_251, %dma_start3A_260, %dma_start3A_261] : memref<3x4x8192xf32, #tpu.memory_space<vmem>> -> memref<1x4x8192xf32, #tpu.memory_space<vmem>>
      %dma_start3A_263 = tpu.memref_squeeze %dma_start3A_262 : memref<1x4x8192xf32, #tpu.memory_space<vmem>> -> memref<4x8192xf32, #tpu.memory_space<vmem>>
      tpu.enqueue_dma source(%dma_start3A_263 : memref<4x8192xf32, #tpu.memory_space<vmem>>) target(%dma_start3A_259 : memref<4x8192xf32, #tpu.memory_space<hbm>>) target_semaphore(%arg8 : memref<!tpu.dma_semaphore, #tpu.memory_space<semaphore_mem>>)
      %dma_wait3A_264 = arith.constant 1 : i32
      %dma_wait3A_265 = arith.constant 0 : i32
      %dma_wait3A_266 = arith.constant 0 : i32
      %dma_wait3A_267 = tpu.memref_slice %arg6[%dma_wait3A_264, %dma_wait3A_265, %dma_wait3A_266] : memref<3x4x8192xf32, #tpu.memory_space<vmem>> -> memref<1x4x8192xf32, #tpu.memory_space<vmem>>
      %dma_wait3A_268 = tpu.memref_squeeze %dma_wait3A_267 : memref<1x4x8192xf32, #tpu.memory_space<vmem>> -> memref<4x8192xf32, #tpu.memory_space<vmem>>
      %dma_wait3A_269 = arith.constant 0 : i32
      %dma_wait3A_270 = tpu.memref_slice %arg4[%mul3A_2, %dma_wait3A_269] : memref<8192x8192xf32, #tpu.memory_space<hbm>> -> memref<4x8192xf32, #tpu.memory_space<hbm>>
      %dma_wait3A_271 = arith.constant 0 : i32
      %dma_wait3A_272 = tpu.memref_slice %arg4[%mul3A_2, %dma_wait3A_271] : memref<8192x8192xf32, #tpu.memory_space<hbm>> -> memref<4x8192xf32, #tpu.memory_space<hbm>>
      %dma_wait3A_273 = arith.constant 0 : i32
      %dma_wait3A_274 = arith.constant 0 : i32
      %dma_wait3A_275 = tpu.memref_slice %arg6[%dma_wait3A_264, %dma_wait3A_273, %dma_wait3A_274] : memref<3x4x8192xf32, #tpu.memory_space<vmem>> -> memref<1x4x8192xf32, #tpu.memory_space<vmem>>
      %dma_wait3A_276 = tpu.memref_squeeze %dma_wait3A_275 : memref<1x4x8192xf32, #tpu.memory_space<vmem>> -> memref<4x8192xf32, #tpu.memory_space<vmem>>
      tpu.wait_dma2 semaphore(%arg8 : memref<!tpu.dma_semaphore, #tpu.memory_space<semaphore_mem>>) src(%dma_wait3A_276 : memref<4x8192xf32, #tpu.memory_space<vmem>>) dst(%dma_wait3A_272 : memref<4x8192xf32, #tpu.memory_space<hbm>>)
      %add3A_277 = arith.constant 2 : i32
      %add3A_278 = arith.addi %add3A_232, %add3A_277 : i32
      %dma_start3A_279 = arith.constant 1 : i32
      %dma_start3A_280 = arith.constant 0 : i32
      %dma_start3A_281 = arith.constant 0 : i32
      %dma_start3A_282 = tpu.memref_slice %arg6[%dma_start3A_279, %dma_start3A_280, %dma_start3A_281] : memref<3x4x8192xf32, #tpu.memory_space<vmem>> -> memref<1x4x8192xf32, #tpu.memory_space<vmem>>
      %dma_start3A_283 = tpu.memref_squeeze %dma_start3A_282 : memref<1x4x8192xf32, #tpu.memory_space<vmem>> -> memref<4x8192xf32, #tpu.memory_space<vmem>>
      %dma_start3A_284 = arith.constant 0 : i32
      %dma_start3A_285 = tpu.memref_slice %arg5[%add3A_278, %dma_start3A_284] : memref<64x4xi32, #tpu.memory_space<vmem>> -> memref<1x4xi32, #tpu.memory_space<vmem>>
      %dma_start3A_286 = tpu.memref_squeeze %dma_start3A_285 : memref<1x4xi32, #tpu.memory_space<vmem>> -> memref<4xi32, #tpu.memory_space<vmem>>
      %dma_start3A_287 = arith.constant 0 : i32
      %dma_start3A_288 = arith.constant 0 : i32
      %dma_start3A_289 = tpu.memref_slice %arg3[%dma_start3A_287, %dma_start3A_288] : memref<8192x8192xf32, #tpu.memory_space<hbm>> -> memref<8192x8192xf32, #tpu.memory_space<hbm>>
      tpu.enqueue_indirect_dma source(%dma_start3A_289 : memref<8192x8192xf32, #tpu.memory_space<hbm>>) target(%dma_start3A_283 : memref<4x8192xf32, #tpu.memory_space<vmem>>) offsets(%dma_start3A_286 : memref<4xi32, #tpu.memory_space<vmem>>) semaphore(%arg7 : memref<!tpu.dma_semaphore, #tpu.memory_space<semaphore_mem>>)
      %add3A_290 = arith.constant 1 : i32
      %add3A_291 = arith.addi %add3A_230, %add3A_290 : i32
      %dma_wait3A_292 = arith.constant 0 : i32
      %dma_wait3A_293 = arith.constant 0 : i32
      %dma_wait3A_294 = arith.constant 0 : i32
      %dma_wait3A_295 = tpu.memref_slice %arg6[%dma_wait3A_292, %dma_wait3A_293, %dma_wait3A_294] : memref<3x4x8192xf32, #tpu.memory_space<vmem>> -> memref<1x4x8192xf32, #tpu.memory_space<vmem>>
      %dma_wait3A_296 = tpu.memref_squeeze %dma_wait3A_295 : memref<1x4x8192xf32, #tpu.memory_space<vmem>> -> memref<4x8192xf32, #tpu.memory_space<vmem>>
      %dma_wait3A_297 = arith.constant 0 : i32
      %dma_wait3A_298 = arith.constant 0 : i32
      %dma_wait3A_299 = tpu.memref_slice %arg3[%dma_wait3A_297, %dma_wait3A_298] : memref<8192x8192xf32, #tpu.memory_space<hbm>> -> memref<4x8192xf32, #tpu.memory_space<hbm>>
      %dma_wait3A_300 = arith.constant 0 : i32
      %dma_wait3A_301 = arith.constant 0 : i32
      %dma_wait3A_302 = tpu.memref_slice %arg6[%dma_wait3A_292, %dma_wait3A_300, %dma_wait3A_301] : memref<3x4x8192xf32, #tpu.memory_space<vmem>> -> memref<1x4x8192xf32, #tpu.memory_space<vmem>>
      %dma_wait3A_303 = tpu.memref_squeeze %dma_wait3A_302 : memref<1x4x8192xf32, #tpu.memory_space<vmem>> -> memref<4x8192xf32, #tpu.memory_space<vmem>>
      %dma_wait3A_304 = arith.constant 0 : i32
      %dma_wait3A_305 = arith.constant 0 : i32
      %dma_wait3A_306 = tpu.memref_slice %arg3[%dma_wait3A_304, %dma_wait3A_305] : memref<8192x8192xf32, #tpu.memory_space<hbm>> -> memref<4x8192xf32, #tpu.memory_space<hbm>>
      tpu.wait_dma2 semaphore(%arg7 : memref<!tpu.dma_semaphore, #tpu.memory_space<semaphore_mem>>) src(%dma_wait3A_306 : memref<4x8192xf32, #tpu.memory_space<hbm>>) dst(%dma_wait3A_303 : memref<4x8192xf32, #tpu.memory_space<vmem>>)
      %mul3A_307 = arith.constant 4 : i32
      %mul3A_308 = arith.muli %add3A_291, %mul3A_307 : i32
      %add3A_309 = arith.addi %mul3A_2, %mul3A_308 : i32
      %dma_start3A_310 = arith.constant 0 : i32
      %dma_start3A_311 = arith.constant 0 : i32
      %dma_start3A_312 = arith.constant 0 : i32
      %dma_start3A_313 = tpu.memref_slice %arg6[%dma_start3A_310, %dma_start3A_311, %dma_start3A_312] : memref<3x4x8192xf32, #tpu.memory_space<vmem>> -> memref<1x4x8192xf32, #tpu.memory_space<vmem>>
      %dma_start3A_314 = tpu.memref_squeeze %dma_start3A_313 : memref<1x4x8192xf32, #tpu.memory_space<vmem>> -> memref<4x8192xf32, #tpu.memory_space<vmem>>
      %dma_start3A_315 = arith.constant 0 : i32
      %dma_start3A_316 = tpu.memref_slice %arg4[%add3A_309, %dma_start3A_315] : memref<8192x8192xf32, #tpu.memory_space<hbm>> -> memref<4x8192xf32, #tpu.memory_space<hbm>>
      %dma_start3A_317 = arith.constant 0 : i32
      %dma_start3A_318 = tpu.memref_slice %arg4[%add3A_309, %dma_start3A_317] : memref<8192x8192xf32, #tpu.memory_space<hbm>> -> memref<4x8192xf32, #tpu.memory_space<hbm>>
      %dma_start3A_319 = arith.constant 0 : i32
      %dma_start3A_320 = arith.constant 0 : i32
      %dma_start3A_321 = tpu.memref_slice %arg6[%dma_start3A_310, %dma_start3A_319, %dma_start3A_320] : memref<3x4x8192xf32, #tpu.memory_space<vmem>> -> memref<1x4x8192xf32, #tpu.memory_space<vmem>>
      %dma_start3A_322 = tpu.memref_squeeze %dma_start3A_321 : memref<1x4x8192xf32, #tpu.memory_space<vmem>> -> memref<4x8192xf32, #tpu.memory_space<vmem>>
      tpu.enqueue_dma source(%dma_start3A_322 : memref<4x8192xf32, #tpu.memory_space<vmem>>) target(%dma_start3A_318 : memref<4x8192xf32, #tpu.memory_space<hbm>>) target_semaphore(%arg8 : memref<!tpu.dma_semaphore, #tpu.memory_space<semaphore_mem>>)
      %dma_wait3A_323 = arith.constant 2 : i32
      %dma_wait3A_324 = arith.constant 0 : i32
      %dma_wait3A_325 = arith.constant 0 : i32
      %dma_wait3A_326 = tpu.memref_slice %arg6[%dma_wait3A_323, %dma_wait3A_324, %dma_wait3A_325] : memref<3x4x8192xf32, #tpu.memory_space<vmem>> -> memref<1x4x8192xf32, #tpu.memory_space<vmem>>
      %dma_wait3A_327 = tpu.memref_squeeze %dma_wait3A_326 : memref<1x4x8192xf32, #tpu.memory_space<vmem>> -> memref<4x8192xf32, #tpu.memory_space<vmem>>
      %dma_wait3A_328 = arith.constant 0 : i32
      %dma_wait3A_329 = tpu.memref_slice %arg4[%mul3A_2, %dma_wait3A_328] : memref<8192x8192xf32, #tpu.memory_space<hbm>> -> memref<4x8192xf32, #tpu.memory_space<hbm>>
      %dma_wait3A_330 = arith.constant 0 : i32
      %dma_wait3A_331 = tpu.memref_slice %arg4[%mul3A_2, %dma_wait3A_330] : memref<8192x8192xf32, #tpu.memory_space<hbm>> -> memref<4x8192xf32, #tpu.memory_space<hbm>>
      %dma_wait3A_332 = arith.constant 0 : i32
      %dma_wait3A_333 = arith.constant 0 : i32
      %dma_wait3A_334 = tpu.memref_slice %arg6[%dma_wait3A_323, %dma_wait3A_332, %dma_wait3A_333] : memref<3x4x8192xf32, #tpu.memory_space<vmem>> -> memref<1x4x8192xf32, #tpu.memory_space<vmem>>
      %dma_wait3A_335 = tpu.memref_squeeze %dma_wait3A_334 : memref<1x4x8192xf32, #tpu.memory_space<vmem>> -> memref<4x8192xf32, #tpu.memory_space<vmem>>
      tpu.wait_dma2 semaphore(%arg8 : memref<!tpu.dma_semaphore, #tpu.memory_space<semaphore_mem>>) src(%dma_wait3A_335 : memref<4x8192xf32, #tpu.memory_space<vmem>>) dst(%dma_wait3A_331 : memref<4x8192xf32, #tpu.memory_space<hbm>>)
      %add3A_336 = arith.constant 2 : i32
      %add3A_337 = arith.addi %add3A_291, %add3A_336 : i32
      %dma_start3A_338 = arith.constant 2 : i32
      %dma_start3A_339 = arith.constant 0 : i32
      %dma_start3A_340 = arith.constant 0 : i32
      %dma_start3A_341 = tpu.memref_slice %arg6[%dma_start3A_338, %dma_start3A_339, %dma_start3A_340] : memref<3x4x8192xf32, #tpu.memory_space<vmem>> -> memref<1x4x8192xf32, #tpu.memory_space<vmem>>
      %dma_start3A_342 = tpu.memref_squeeze %dma_start3A_341 : memref<1x4x8192xf32, #tpu.memory_space<vmem>> -> memref<4x8192xf32, #tpu.memory_space<vmem>>
      %dma_start3A_343 = arith.constant 0 : i32
      %dma_start3A_344 = tpu.memref_slice %arg5[%add3A_337, %dma_start3A_343] : memref<64x4xi32, #tpu.memory_space<vmem>> -> memref<1x4xi32, #tpu.memory_space<vmem>>
      %dma_start3A_345 = tpu.memref_squeeze %dma_start3A_344 : memref<1x4xi32, #tpu.memory_space<vmem>> -> memref<4xi32, #tpu.memory_space<vmem>>
      %dma_start3A_346 = arith.constant 0 : i32
      %dma_start3A_347 = arith.constant 0 : i32
      %dma_start3A_348 = tpu.memref_slice %arg3[%dma_start3A_346, %dma_start3A_347] : memref<8192x8192xf32, #tpu.memory_space<hbm>> -> memref<8192x8192xf32, #tpu.memory_space<hbm>>
      tpu.enqueue_indirect_dma source(%dma_start3A_348 : memref<8192x8192xf32, #tpu.memory_space<hbm>>) target(%dma_start3A_342 : memref<4x8192xf32, #tpu.memory_space<vmem>>) offsets(%dma_start3A_345 : memref<4xi32, #tpu.memory_space<vmem>>) semaphore(%arg7 : memref<!tpu.dma_semaphore, #tpu.memory_space<semaphore_mem>>)
      %add3A_349 = arith.constant 2 : i32
      %add3A_350 = arith.addi %add3A_230, %add3A_349 : i32
      %dma_wait3A_351 = arith.constant 1 : i32
      %dma_wait3A_352 = arith.constant 0 : i32
      %dma_wait3A_353 = arith.constant 0 : i32
      %dma_wait3A_354 = tpu.memref_slice %arg6[%dma_wait3A_351, %dma_wait3A_352, %dma_wait3A_353] : memref<3x4x8192xf32, #tpu.memory_space<vmem>> -> memref<1x4x8192xf32, #tpu.memory_space<vmem>>
      %dma_wait3A_355 = tpu.memref_squeeze %dma_wait3A_354 : memref<1x4x8192xf32, #tpu.memory_space<vmem>> -> memref<4x8192xf32, #tpu.memory_space<vmem>>
      %dma_wait3A_356 = arith.constant 0 : i32
      %dma_wait3A_357 = arith.constant 0 : i32
      %dma_wait3A_358 = tpu.memref_slice %arg3[%dma_wait3A_356, %dma_wait3A_357] : memref<8192x8192xf32, #tpu.memory_space<hbm>> -> memref<4x8192xf32, #tpu.memory_space<hbm>>
      %dma_wait3A_359 = arith.constant 0 : i32
      %dma_wait3A_360 = arith.constant 0 : i32
      %dma_wait3A_361 = tpu.memref_slice %arg6[%dma_wait3A_351, %dma_wait3A_359, %dma_wait3A_360] : memref<3x4x8192xf32, #tpu.memory_space<vmem>> -> memref<1x4x8192xf32, #tpu.memory_space<vmem>>
      %dma_wait3A_362 = tpu.memref_squeeze %dma_wait3A_361 : memref<1x4x8192xf32, #tpu.memory_space<vmem>> -> memref<4x8192xf32, #tpu.memory_space<vmem>>
      %dma_wait3A_363 = arith.constant 0 : i32
      %dma_wait3A_364 = arith.constant 0 : i32
      %dma_wait3A_365 = tpu.memref_slice %arg3[%dma_wait3A_363, %dma_wait3A_364] : memref<8192x8192xf32, #tpu.memory_space<hbm>> -> memref<4x8192xf32, #tpu.memory_space<hbm>>
      tpu.wait_dma2 semaphore(%arg7 : memref<!tpu.dma_semaphore, #tpu.memory_space<semaphore_mem>>) src(%dma_wait3A_365 : memref<4x8192xf32, #tpu.memory_space<hbm>>) dst(%dma_wait3A_362 : memref<4x8192xf32, #tpu.memory_space<vmem>>)
      %mul3A_366 = arith.constant 4 : i32
      %mul3A_367 = arith.muli %add3A_350, %mul3A_366 : i32
      %add3A_368 = arith.addi %mul3A_2, %mul3A_367 : i32
      %dma_start3A_369 = arith.constant 1 : i32
      %dma_start3A_370 = arith.constant 0 : i32
      %dma_start3A_371 = arith.constant 0 : i32
      %dma_start3A_372 = tpu.memref_slice %arg6[%dma_start3A_369, %dma_start3A_370, %dma_start3A_371] : memref<3x4x8192xf32, #tpu.memory_space<vmem>> -> memref<1x4x8192xf32, #tpu.memory_space<vmem>>
      %dma_start3A_373 = tpu.memref_squeeze %dma_start3A_372 : memref<1x4x8192xf32, #tpu.memory_space<vmem>> -> memref<4x8192xf32, #tpu.memory_space<vmem>>
      %dma_start3A_374 = arith.constant 0 : i32
      %dma_start3A_375 = tpu.memref_slice %arg4[%add3A_368, %dma_start3A_374] : memref<8192x8192xf32, #tpu.memory_space<hbm>> -> memref<4x8192xf32, #tpu.memory_space<hbm>>
      %dma_start3A_376 = arith.constant 0 : i32
      %dma_start3A_377 = tpu.memref_slice %arg4[%add3A_368, %dma_start3A_376] : memref<8192x8192xf32, #tpu.memory_space<hbm>> -> memref<4x8192xf32, #tpu.memory_space<hbm>>
      %dma_start3A_378 = arith.constant 0 : i32
      %dma_start3A_379 = arith.constant 0 : i32
      %dma_start3A_380 = tpu.memref_slice %arg6[%dma_start3A_369, %dma_start3A_378, %dma_start3A_379] : memref<3x4x8192xf32, #tpu.memory_space<vmem>> -> memref<1x4x8192xf32, #tpu.memory_space<vmem>>
      %dma_start3A_381 = tpu.memref_squeeze %dma_start3A_380 : memref<1x4x8192xf32, #tpu.memory_space<vmem>> -> memref<4x8192xf32, #tpu.memory_space<vmem>>
      tpu.enqueue_dma source(%dma_start3A_381 : memref<4x8192xf32, #tpu.memory_space<vmem>>) target(%dma_start3A_377 : memref<4x8192xf32, #tpu.memory_space<hbm>>) target_semaphore(%arg8 : memref<!tpu.dma_semaphore, #tpu.memory_space<semaphore_mem>>)
      %dma_wait3A_382 = arith.constant 0 : i32
      %dma_wait3A_383 = arith.constant 0 : i32
      %dma_wait3A_384 = arith.constant 0 : i32
      %dma_wait3A_385 = tpu.memref_slice %arg6[%dma_wait3A_382, %dma_wait3A_383, %dma_wait3A_384] : memref<3x4x8192xf32, #tpu.memory_space<vmem>> -> memref<1x4x8192xf32, #tpu.memory_space<vmem>>
      %dma_wait3A_386 = tpu.memref_squeeze %dma_wait3A_385 : memref<1x4x8192xf32, #tpu.memory_space<vmem>> -> memref<4x8192xf32, #tpu.memory_space<vmem>>
      %dma_wait3A_387 = arith.constant 0 : i32
      %dma_wait3A_388 = tpu.memref_slice %arg4[%mul3A_2, %dma_wait3A_387] : memref<8192x8192xf32, #tpu.memory_space<hbm>> -> memref<4x8192xf32, #tpu.memory_space<hbm>>
      %dma_wait3A_389 = arith.constant 0 : i32
      %dma_wait3A_390 = tpu.memref_slice %arg4[%mul3A_2, %dma_wait3A_389] : memref<8192x8192xf32, #tpu.memory_space<hbm>> -> memref<4x8192xf32, #tpu.memory_space<hbm>>
      %dma_wait3A_391 = arith.constant 0 : i32
      %dma_wait3A_392 = arith.constant 0 : i32
      %dma_wait3A_393 = tpu.memref_slice %arg6[%dma_wait3A_382, %dma_wait3A_391, %dma_wait3A_392] : memref<3x4x8192xf32, #tpu.memory_space<vmem>> -> memref<1x4x8192xf32, #tpu.memory_space<vmem>>
      %dma_wait3A_394 = tpu.memref_squeeze %dma_wait3A_393 : memref<1x4x8192xf32, #tpu.memory_space<vmem>> -> memref<4x8192xf32, #tpu.memory_space<vmem>>
      tpu.wait_dma2 semaphore(%arg8 : memref<!tpu.dma_semaphore, #tpu.memory_space<semaphore_mem>>) src(%dma_wait3A_394 : memref<4x8192xf32, #tpu.memory_space<vmem>>) dst(%dma_wait3A_390 : memref<4x8192xf32, #tpu.memory_space<hbm>>)
      %add3A_395 = arith.constant 2 : i32
      %add3A_396 = arith.addi %add3A_350, %add3A_395 : i32
      %dma_start3A_397 = arith.constant 0 : i32
      %dma_start3A_398 = arith.constant 0 : i32
      %dma_start3A_399 = arith.constant 0 : i32
      %dma_start3A_400 = tpu.memref_slice %arg6[%dma_start3A_397, %dma_start3A_398, %dma_start3A_399] : memref<3x4x8192xf32, #tpu.memory_space<vmem>> -> memref<1x4x8192xf32, #tpu.memory_space<vmem>>
      %dma_start3A_401 = tpu.memref_squeeze %dma_start3A_400 : memref<1x4x8192xf32, #tpu.memory_space<vmem>> -> memref<4x8192xf32, #tpu.memory_space<vmem>>
      %dma_start3A_402 = arith.constant 0 : i32
      %dma_start3A_403 = tpu.memref_slice %arg5[%add3A_396, %dma_start3A_402] : memref<64x4xi32, #tpu.memory_space<vmem>> -> memref<1x4xi32, #tpu.memory_space<vmem>>
      %dma_start3A_404 = tpu.memref_squeeze %dma_start3A_403 : memref<1x4xi32, #tpu.memory_space<vmem>> -> memref<4xi32, #tpu.memory_space<vmem>>
      %dma_start3A_405 = arith.constant 0 : i32
      %dma_start3A_406 = arith.constant 0 : i32
      %dma_start3A_407 = tpu.memref_slice %arg3[%dma_start3A_405, %dma_start3A_406] : memref<8192x8192xf32, #tpu.memory_space<hbm>> -> memref<8192x8192xf32, #tpu.memory_space<hbm>>
      tpu.enqueue_indirect_dma source(%dma_start3A_407 : memref<8192x8192xf32, #tpu.memory_space<hbm>>) target(%dma_start3A_401 : memref<4x8192xf32, #tpu.memory_space<vmem>>) offsets(%dma_start3A_404 : memref<4xi32, #tpu.memory_space<vmem>>) semaphore(%arg7 : memref<!tpu.dma_semaphore, #tpu.memory_space<semaphore_mem>>)
    }
    %scan3A_126 = arith.constant 20 : i32
    %dma_wait3A_127 = arith.constant 2 : i32
    %dma_wait3A_128 = arith.constant 0 : i32
    %dma_wait3A_129 = arith.constant 0 : i32
    %dma_wait3A_130 = tpu.memref_slice %arg6[%dma_wait3A_127, %dma_wait3A_128, %dma_wait3A_129] : memref<3x4x8192xf32, #tpu.memory_space<vmem>> -> memref<1x4x8192xf32, #tpu.memory_space<vmem>>
    %dma_wait3A_131 = tpu.memref_squeeze %dma_wait3A_130 : memref<1x4x8192xf32, #tpu.memory_space<vmem>> -> memref<4x8192xf32, #tpu.memory_space<vmem>>
    %dma_wait3A_132 = arith.constant 0 : i32
    %dma_wait3A_133 = arith.constant 0 : i32
    %dma_wait3A_134 = tpu.memref_slice %arg3[%dma_wait3A_132, %dma_wait3A_133] : memref<8192x8192xf32, #tpu.memory_space<hbm>> -> memref<4x8192xf32, #tpu.memory_space<hbm>>
    %dma_wait3A_135 = arith.constant 0 : i32
    %dma_wait3A_136 = arith.constant 0 : i32
    %dma_wait3A_137 = tpu.memref_slice %arg6[%dma_wait3A_127, %dma_wait3A_135, %dma_wait3A_136] : memref<3x4x8192xf32, #tpu.memory_space<vmem>> -> memref<1x4x8192xf32, #tpu.memory_space<vmem>>
    %dma_wait3A_138 = tpu.memref_squeeze %dma_wait3A_137 : memref<1x4x8192xf32, #tpu.memory_space<vmem>> -> memref<4x8192xf32, #tpu.memory_space<vmem>>
    %dma_wait3A_139 = arith.constant 0 : i32
    %dma_wait3A_140 = arith.constant 0 : i32
    %dma_wait3A_141 = tpu.memref_slice %arg3[%dma_wait3A_139, %dma_wait3A_140] : memref<8192x8192xf32, #tpu.memory_space<hbm>> -> memref<4x8192xf32, #tpu.memory_space<hbm>>
    tpu.wait_dma2 semaphore(%arg7 : memref<!tpu.dma_semaphore, #tpu.memory_space<semaphore_mem>>) src(%dma_wait3A_141 : memref<4x8192xf32, #tpu.memory_space<hbm>>) dst(%dma_wait3A_138 : memref<4x8192xf32, #tpu.memory_space<vmem>>)
    %add3A_142 = arith.constant 248 : i32
    %add3A_143 = arith.addi %mul3A_2, %add3A_142 : i32
    %dma_start3A_144 = arith.constant 2 : i32
    %dma_start3A_145 = arith.constant 0 : i32
    %dma_start3A_146 = arith.constant 0 : i32
    %dma_start3A_147 = tpu.memref_slice %arg6[%dma_start3A_144, %dma_start3A_145, %dma_start3A_146] : memref<3x4x8192xf32, #tpu.memory_space<vmem>> -> memref<1x4x8192xf32, #tpu.memory_space<vmem>>
    %dma_start3A_148 = tpu.memref_squeeze %dma_start3A_147 : memref<1x4x8192xf32, #tpu.memory_space<vmem>> -> memref<4x8192xf32, #tpu.memory_space<vmem>>
    %dma_start3A_149 = arith.constant 0 : i32
    %dma_start3A_150 = tpu.memref_slice %arg4[%add3A_143, %dma_start3A_149] : memref<8192x8192xf32, #tpu.memory_space<hbm>> -> memref<4x8192xf32, #tpu.memory_space<hbm>>
    %dma_start3A_151 = arith.constant 0 : i32
    %dma_start3A_152 = tpu.memref_slice %arg4[%add3A_143, %dma_start3A_151] : memref<8192x8192xf32, #tpu.memory_space<hbm>> -> memref<4x8192xf32, #tpu.memory_space<hbm>>
    %dma_start3A_153 = arith.constant 0 : i32
    %dma_start3A_154 = arith.constant 0 : i32
    %dma_start3A_155 = tpu.memref_slice %arg6[%dma_start3A_144, %dma_start3A_153, %dma_start3A_154] : memref<3x4x8192xf32, #tpu.memory_space<vmem>> -> memref<1x4x8192xf32, #tpu.memory_space<vmem>>
    %dma_start3A_156 = tpu.memref_squeeze %dma_start3A_155 : memref<1x4x8192xf32, #tpu.memory_space<vmem>> -> memref<4x8192xf32, #tpu.memory_space<vmem>>
    tpu.enqueue_dma source(%dma_start3A_156 : memref<4x8192xf32, #tpu.memory_space<vmem>>) target(%dma_start3A_152 : memref<4x8192xf32, #tpu.memory_space<hbm>>) target_semaphore(%arg8 : memref<!tpu.dma_semaphore, #tpu.memory_space<semaphore_mem>>)
    %dma_wait3A_157 = arith.constant 1 : i32
    %dma_wait3A_158 = arith.constant 0 : i32
    %dma_wait3A_159 = arith.constant 0 : i32
    %dma_wait3A_160 = tpu.memref_slice %arg6[%dma_wait3A_157, %dma_wait3A_158, %dma_wait3A_159] : memref<3x4x8192xf32, #tpu.memory_space<vmem>> -> memref<1x4x8192xf32, #tpu.memory_space<vmem>>
    %dma_wait3A_161 = tpu.memref_squeeze %dma_wait3A_160 : memref<1x4x8192xf32, #tpu.memory_space<vmem>> -> memref<4x8192xf32, #tpu.memory_space<vmem>>
    %dma_wait3A_162 = arith.constant 0 : i32
    %dma_wait3A_163 = tpu.memref_slice %arg4[%mul3A_2, %dma_wait3A_162] : memref<8192x8192xf32, #tpu.memory_space<hbm>> -> memref<4x8192xf32, #tpu.memory_space<hbm>>
    %dma_wait3A_164 = arith.constant 0 : i32
    %dma_wait3A_165 = tpu.memref_slice %arg4[%mul3A_2, %dma_wait3A_164] : memref<8192x8192xf32, #tpu.memory_space<hbm>> -> memref<4x8192xf32, #tpu.memory_space<hbm>>
    %dma_wait3A_166 = arith.constant 0 : i32
    %dma_wait3A_167 = arith.constant 0 : i32
    %dma_wait3A_168 = tpu.memref_slice %arg6[%dma_wait3A_157, %dma_wait3A_166, %dma_wait3A_167] : memref<3x4x8192xf32, #tpu.memory_space<vmem>> -> memref<1x4x8192xf32, #tpu.memory_space<vmem>>
    %dma_wait3A_169 = tpu.memref_squeeze %dma_wait3A_168 : memref<1x4x8192xf32, #tpu.memory_space<vmem>> -> memref<4x8192xf32, #tpu.memory_space<vmem>>
    tpu.wait_dma2 semaphore(%arg8 : memref<!tpu.dma_semaphore, #tpu.memory_space<semaphore_mem>>) src(%dma_wait3A_169 : memref<4x8192xf32, #tpu.memory_space<vmem>>) dst(%dma_wait3A_165 : memref<4x8192xf32, #tpu.memory_space<hbm>>)
    %dma_wait3A_170 = arith.constant 0 : i32
    %dma_wait3A_171 = arith.constant 0 : i32
    %dma_wait3A_172 = arith.constant 0 : i32
    %dma_wait3A_173 = tpu.memref_slice %arg6[%dma_wait3A_170, %dma_wait3A_171, %dma_wait3A_172] : memref<3x4x8192xf32, #tpu.memory_space<vmem>> -> memref<1x4x8192xf32, #tpu.memory_space<vmem>>
    %dma_wait3A_174 = tpu.memref_squeeze %dma_wait3A_173 : memref<1x4x8192xf32, #tpu.memory_space<vmem>> -> memref<4x8192xf32, #tpu.memory_space<vmem>>
    %dma_wait3A_175 = arith.constant 0 : i32
    %dma_wait3A_176 = arith.constant 0 : i32
    %dma_wait3A_177 = tpu.memref_slice %arg3[%dma_wait3A_175, %dma_wait3A_176] : memref<8192x8192xf32, #tpu.memory_space<hbm>> -> memref<4x8192xf32, #tpu.memory_space<hbm>>
    %dma_wait3A_178 = arith.constant 0 : i32
    %dma_wait3A_179 = arith.constant 0 : i32
    %dma_wait3A_180 = tpu.memref_slice %arg6[%dma_wait3A_170, %dma_wait3A_178, %dma_wait3A_179] : memref<3x4x8192xf32, #tpu.memory_space<vmem>> -> memref<1x4x8192xf32, #tpu.memory_space<vmem>>
    %dma_wait3A_181 = tpu.memref_squeeze %dma_wait3A_180 : memref<1x4x8192xf32, #tpu.memory_space<vmem>> -> memref<4x8192xf32, #tpu.memory_space<vmem>>
    %dma_wait3A_182 = arith.constant 0 : i32
    %dma_wait3A_183 = arith.constant 0 : i32
    %dma_wait3A_184 = tpu.memref_slice %arg3[%dma_wait3A_182, %dma_wait3A_183] : memref<8192x8192xf32, #tpu.memory_space<hbm>> -> memref<4x8192xf32, #tpu.memory_space<hbm>>
    tpu.wait_dma2 semaphore(%arg7 : memref<!tpu.dma_semaphore, #tpu.memory_space<semaphore_mem>>) src(%dma_wait3A_184 : memref<4x8192xf32, #tpu.memory_space<hbm>>) dst(%dma_wait3A_181 : memref<4x8192xf32, #tpu.memory_space<vmem>>)
    %add3A_185 = arith.constant 252 : i32
    %add3A_186 = arith.addi %mul3A_2, %add3A_185 : i32
    %dma_start3A_187 = arith.constant 0 : i32
    %dma_start3A_188 = arith.constant 0 : i32
    %dma_start3A_189 = arith.constant 0 : i32
    %dma_start3A_190 = tpu.memref_slice %arg6[%dma_start3A_187, %dma_start3A_188, %dma_start3A_189] : memref<3x4x8192xf32, #tpu.memory_space<vmem>> -> memref<1x4x8192xf32, #tpu.memory_space<vmem>>
    %dma_start3A_191 = tpu.memref_squeeze %dma_start3A_190 : memref<1x4x8192xf32, #tpu.memory_space<vmem>> -> memref<4x8192xf32, #tpu.memory_space<vmem>>
    %dma_start3A_192 = arith.constant 0 : i32
    %dma_start3A_193 = tpu.memref_slice %arg4[%add3A_186, %dma_start3A_192] : memref<8192x8192xf32, #tpu.memory_space<hbm>> -> memref<4x8192xf32, #tpu.memory_space<hbm>>
    %dma_start3A_194 = arith.constant 0 : i32
    %dma_start3A_195 = tpu.memref_slice %arg4[%add3A_186, %dma_start3A_194] : memref<8192x8192xf32, #tpu.memory_space<hbm>> -> memref<4x8192xf32, #tpu.memory_space<hbm>>
    %dma_start3A_196 = arith.constant 0 : i32
    %dma_start3A_197 = arith.constant 0 : i32
    %dma_start3A_198 = tpu.memref_slice %arg6[%dma_start3A_187, %dma_start3A_196, %dma_start3A_197] : memref<3x4x8192xf32, #tpu.memory_space<vmem>> -> memref<1x4x8192xf32, #tpu.memory_space<vmem>>
    %dma_start3A_199 = tpu.memref_squeeze %dma_start3A_198 : memref<1x4x8192xf32, #tpu.memory_space<vmem>> -> memref<4x8192xf32, #tpu.memory_space<vmem>>
    tpu.enqueue_dma source(%dma_start3A_199 : memref<4x8192xf32, #tpu.memory_space<vmem>>) target(%dma_start3A_195 : memref<4x8192xf32, #tpu.memory_space<hbm>>) target_semaphore(%arg8 : memref<!tpu.dma_semaphore, #tpu.memory_space<semaphore_mem>>)
    %dma_wait3A_200 = arith.constant 2 : i32
    %dma_wait3A_201 = arith.constant 0 : i32
    %dma_wait3A_202 = arith.constant 0 : i32
    %dma_wait3A_203 = tpu.memref_slice %arg6[%dma_wait3A_200, %dma_wait3A_201, %dma_wait3A_202] : memref<3x4x8192xf32, #tpu.memory_space<vmem>> -> memref<1x4x8192xf32, #tpu.memory_space<vmem>>
    %dma_wait3A_204 = tpu.memref_squeeze %dma_wait3A_203 : memref<1x4x8192xf32, #tpu.memory_space<vmem>> -> memref<4x8192xf32, #tpu.memory_space<vmem>>
    %dma_wait3A_205 = arith.constant 0 : i32
    %dma_wait3A_206 = tpu.memref_slice %arg4[%mul3A_2, %dma_wait3A_205] : memref<8192x8192xf32, #tpu.memory_space<hbm>> -> memref<4x8192xf32, #tpu.memory_space<hbm>>
    %dma_wait3A_207 = arith.constant 0 : i32
    %dma_wait3A_208 = tpu.memref_slice %arg4[%mul3A_2, %dma_wait3A_207] : memref<8192x8192xf32, #tpu.memory_space<hbm>> -> memref<4x8192xf32, #tpu.memory_space<hbm>>
    %dma_wait3A_209 = arith.constant 0 : i32
    %dma_wait3A_210 = arith.constant 0 : i32
    %dma_wait3A_211 = tpu.memref_slice %arg6[%dma_wait3A_200, %dma_wait3A_209, %dma_wait3A_210] : memref<3x4x8192xf32, #tpu.memory_space<vmem>> -> memref<1x4x8192xf32, #tpu.memory_space<vmem>>
    %dma_wait3A_212 = tpu.memref_squeeze %dma_wait3A_211 : memref<1x4x8192xf32, #tpu.memory_space<vmem>> -> memref<4x8192xf32, #tpu.memory_space<vmem>>
    tpu.wait_dma2 semaphore(%arg8 : memref<!tpu.dma_semaphore, #tpu.memory_space<semaphore_mem>>) src(%dma_wait3A_212 : memref<4x8192xf32, #tpu.memory_space<vmem>>) dst(%dma_wait3A_208 : memref<4x8192xf32, #tpu.memory_space<hbm>>)
    %dma_wait3A_213 = arith.constant 0 : i32
    %dma_wait3A_214 = arith.constant 0 : i32
    %dma_wait3A_215 = arith.constant 0 : i32
    %dma_wait3A_216 = tpu.memref_slice %arg6[%dma_wait3A_213, %dma_wait3A_214, %dma_wait3A_215] : memref<3x4x8192xf32, #tpu.memory_space<vmem>> -> memref<1x4x8192xf32, #tpu.memory_space<vmem>>
    %dma_wait3A_217 = tpu.memref_squeeze %dma_wait3A_216 : memref<1x4x8192xf32, #tpu.memory_space<vmem>> -> memref<4x8192xf32, #tpu.memory_space<vmem>>
    %dma_wait3A_218 = arith.constant 0 : i32
    %dma_wait3A_219 = tpu.memref_slice %arg4[%mul3A_2, %dma_wait3A_218] : memref<8192x8192xf32, #tpu.memory_space<hbm>> -> memref<4x8192xf32, #tpu.memory_space<hbm>>
    %dma_wait3A_220 = arith.constant 0 : i32
    %dma_wait3A_221 = tpu.memref_slice %arg4[%mul3A_2, %dma_wait3A_220] : memref<8192x8192xf32, #tpu.memory_space<hbm>> -> memref<4x8192xf32, #tpu.memory_space<hbm>>
    %dma_wait3A_222 = arith.constant 0 : i32
    %dma_wait3A_223 = arith.constant 0 : i32
    %dma_wait3A_224 = tpu.memref_slice %arg6[%dma_wait3A_213, %dma_wait3A_222, %dma_wait3A_223] : memref<3x4x8192xf32, #tpu.memory_space<vmem>> -> memref<1x4x8192xf32, #tpu.memory_space<vmem>>
    %dma_wait3A_225 = tpu.memref_squeeze %dma_wait3A_224 : memref<1x4x8192xf32, #tpu.memory_space<vmem>> -> memref<4x8192xf32, #tpu.memory_space<vmem>>
    tpu.wait_dma2 semaphore(%arg8 : memref<!tpu.dma_semaphore, #tpu.memory_space<semaphore_mem>>) src(%dma_wait3A_225 : memref<4x8192xf32, #tpu.memory_space<vmem>>) dst(%dma_wait3A_221 : memref<4x8192xf32, #tpu.memory_space<hbm>>)
    return
  }
}

</mosaic_0001>

<sc_bundles>
// kernel: kernel.3.cloned.1.call-start
scs
__scs_entry_jumppad:
0x0: {  	(pc) =	sbr.rel $0x88, $3  }
0x1: {  	(tag) =	ssettag $0x0;
	lr =	simm.s32 $0x1  }
0x2: {  	[smem:$0x3F9F] =	sst lr;
	_ =	strace $0xD0000000  }
0x3: {  	_ = 	snop  }
0x4: {  	_ = 	snop  }
0x5: {  	_ = 	snop  }
0x6: {  	_ = 	snop  }
0x7: {  	_ = 	snop  }
__scs_overlays_trampoline_lowered:
0x8: {  	[smem:$0x3FAE] =	sst s0  }
0x9: {  	[smem:$0x3FAF] =	sst s1  }
0xa: {  	[smem:$0x3FB0] =	sst s2  }
0xb: {  	[smem:$0x3FB1] =	sst s3  }
0xc: {  	[smem:$0x3FB2] =	sst s4  }
0xd: {  	[smem:$0x3FB3] =	sst s5  }
0xe: {  	[smem:$0x3FB4] =	sst s6  }
0xf: {  	[smem:$0x3FB5] =	sst s7  }
0x10: {  	[smem:$0x3FB6] =	sst s8  }
0x11: {  	[smem:$0x3FB7] =	sst s9;
	s0 =	simm.s32 @!p0 $0x0  }
0x12: {  	s1 =	sld [smem:$0x3F9D];
	s0 =	simm.s32 @p0 $0x1  }
0x13: {  	[smem:$0x3FB8] =	sst s0;
	s0 =	simm.s32 @!p1 $0x0  }
0x14: {  	s2 =	sld [smem:$0x3F9C];
	s0 =	simm.s32 @p1 $0x1  }
0x15: {  	[smem:$0x3FB9] =	sst s0;
	s0 =	simm.s32 @!p2 $0x0  }
0x16: {  	s3 =	sld [smem:$0x3FDB];
	s0 =	simm.s32 @p2 $0x1  }
0x17: {  	s4 =	simm.s32 $0x1BF5;
	[smem:$0x3FBB] =	sst s0  }
0x18: {  	s0 =	sld [smem:$0x3F9E];
	_ =	swait.ge [sflag:s4], $0x0  }
0x19: {  	s7 =	sld [smem:$0x3F9F]  }
0x1a: {  	s8 =	sadd.s32 $0xFFFFE003, lr  }
0x1b: {  	s9 =	sadd.s32 $0xFFFFFEF7, lr;
	s5 =	simm.s32 $0xFFFFFFFF;
	p2 =	slt.u32 s8, $0xFFFFF086  }
0x1c: {  	p1 =	slt.u32 s9, $0xF7A;
	s5 =	simm.s32 @!p2 $0x0  }
0x1d: {  	s5 =	simm.s32 @p1 $0x1;
	p0 =	seq.s32 s7, s2  }
0x1e: {  	s7 =	smul.u32 @!p0 $0xF7A, s2;
	p2 =	seq.s32 @!p0 s5, $0x0  }
0x1f: {  	s9 =	smul.u32 $0xF7A, s1;
	s8 =	simm.s32 @!p0 $0x1BF5;
	p2 =	por !p2, p0  }
0x20: {  	[sflag:s8] =	ssyncset.s32 @!p0 $0xFFFFF086;
	s6 =	sadd.s32 @!p0 s3, s7;
	s7 =	simm.s32 @!p0 $0x108  }
0x21: {  	s3 =	sadd.s32 s3, s9;
	s6 =	sadd.s32 @!p0 $0x88, s6;
	s7 =	simm.s32 @p2 $0x1082  }
0x22: {  	[simem:s7], [sflag:s8] =	dma.local @!p0 [hbm:s6], $0xF7A  }
0x23: {  	s9 =	sor.u32 $0xD0000000, s2;
	s6 =	simm.s32 $0x108;
	_ =	swait.ge @!p0 [sflag:s8], $0x0  }
0x24: {  	s3 =	sadd.s32 $0x88, s3;
	s6 =	simm.s32 @!p1 $0x1082;
	[sflag:s4] =	ssyncset.s32 $0xFFFFF086  }
0x25: {  	[simem:s6], [sflag:s4] =	dma.local [hbm:s3], $0xF7A  }
0x26: {  	[smem:$0x3F9F] =	sst s1;
	(tag) =	ssettag s2;
	_ =	strace s9  }
0x27: {  	s1 =	sld [smem:$0x3FAF]  }
0x28: {  	s2 =	sld [smem:$0x3FB0]  }
0x29: {  	s4 =	sld [smem:$0x3FB2]  }
0x2a: {  	p0 =	seq.s32 s5, $0x0;
	s5 =	sld [smem:$0x3FB3]  }
0x2b: {  	s6 =	sld [smem:$0x3FB4]  }
0x2c: {  	s7 =	sld [smem:$0x3FB5]  }
0x2d: {  	s3 =	simm.s32 $0x108;
	s8 =	sld [smem:$0x3FB6]  }
0x2e: {  	s3 =	simm.s32 @!p0 $0x1082;
	s9 =	sld [smem:$0x3FB7]  }
0x2f: {  	lr =	sadd.s32 s0, s3;
	s0 =	sld [smem:$0x3FAE]  }
0x30: {  	s3 =	sld [smem:$0x3FB1]  }
0x31: {  	[smem:$0x3FBA] =	sst s10  }
0x32: {  	s10 =	sld [smem:$0x3FB8];
	_ =	sdelay $0x3  }
0x33: {  	p0 =	seq.s32 s10, $0x1;
	s10 =	sld [smem:$0x3FBA];
	_ =	sdelay $0x3  }
0x34: {  	[smem:$0x3FBA] =	sst s10  }
0x35: {  	s10 =	sld [smem:$0x3FB9];
	_ =	sdelay $0x3  }
0x36: {  	p1 =	seq.s32 s10, $0x1;
	s10 =	sld [smem:$0x3FBA];
	_ =	sdelay $0x3  }
0x37: {  	[smem:$0x3FBA] =	sst s10  }
0x38: {  	s10 =	sld [smem:$0x3FBB]  }
0x39: {  	_ = 	snop;
	(pc) =	sbr.ind lr, $3  }
0x3a: {  	_ = 	snop  }
0x3b: {  	_ = 	snop  }
0x3c: {  	p2 =	seq.s32 s10, $0x1;
	s10 =	sld [smem:$0x3FBA]  }
0x3d: {  	_ =	shalt  }
0x3e: {  	_ =	shalt  }
0x3f: {  	_ =	shalt  }
0x40: {  	_ =	shalt  }
0x41: {  	_ =	shalt  }
0x42: {  	_ =	shalt  }
0x43: {  	_ =	shalt  }
0x44: {  	_ =	shalt  }
0x45: {  	_ =	shalt  }
0x46: {  	_ =	shalt  }
0x47: {  	_ =	shalt  }
0x48: {  	_ =	shalt  }
0x49: {  	_ =	shalt  }
0x4a: {  	_ =	shalt  }
0x4b: {  	_ =	shalt  }
0x4c: {  	_ =	shalt  }
0x4d: {  	_ =	shalt  }
0x4e: {  	_ =	shalt  }
0x4f: {  	_ =	shalt  }
0x50: {  	_ =	shalt  }
0x51: {  	_ =	shalt  }
0x52: {  	_ =	shalt  }
0x53: {  	_ =	shalt  }
0x54: {  	_ =	shalt  }
0x55: {  	_ =	shalt  }
0x56: {  	_ =	shalt  }
0x57: {  	_ =	shalt  }
0x58: {  	_ =	shalt  }
0x59: {  	_ =	shalt  }
0x5a: {  	_ =	shalt  }
0x5b: {  	_ =	shalt  }
0x5c: {  	_ =	shalt  }
0x5d: {  	_ =	shalt  }
0x5e: {  	_ =	shalt  }
0x5f: {  	_ =	shalt  }
0x60: {  	_ =	shalt  }
0x61: {  	_ =	shalt  }
0x62: {  	_ =	shalt  }
0x63: {  	_ =	shalt  }
0x64: {  	_ =	shalt  }
0x65: {  	_ =	shalt  }
0x66: {  	_ =	shalt  }
0x67: {  	_ =	shalt  }
0x68: {  	_ =	shalt  }
0x69: {  	_ =	shalt  }
0x6a: {  	_ =	shalt  }
0x6b: {  	_ =	shalt  }
0x6c: {  	_ =	shalt  }
0x6d: {  	_ =	shalt  }
0x6e: {  	_ =	shalt  }
0x6f: {  	_ =	shalt  }
0x70: {  	_ =	shalt  }
0x71: {  	_ =	shalt  }
0x72: {  	_ =	shalt  }
0x73: {  	_ =	shalt  }
0x74: {  	_ =	shalt  }
0x75: {  	_ =	shalt  }
0x76: {  	_ =	shalt  }
0x77: {  	_ =	shalt  }
0x78: {  	_ =	shalt  }
0x79: {  	_ =	shalt  }
0x7a: {  	_ =	shalt  }
0x7b: {  	_ =	shalt  }
0x7c: {  	_ =	shalt  }
0x7d: {  	_ =	shalt  }
0x7e: {  	_ =	shalt  }
0x7f: {  	_ =	shalt  }
0x80: {  	_ =	shalt  }
0x81: {  	_ =	shalt  }
0x82: {  	_ =	shalt  }
0x83: {  	_ =	shalt  }
0x84: {  	_ =	shalt  }
0x85: {  	_ =	shalt  }
0x86: {  	_ =	shalt  }
0x87: {  	_ =	shalt  }
.Lfunc_end0:
.L_simem_size_0:
called_computation_lowered:
.L_overlay_start_0:
0x88: {  	s2 =	sld [smem:$0x3FD9]  }
0x89: {  	s3 =	sld [smem:$0x3FFE];
	_ =	sdelay $0x1  }
0x8a: {  	s1 =	srdreg.scid  }
0x8b: {  	s0 =	sand.u32 $0x1, s1  }
0x8c: {  	s17 =	sshll.u32 s0, $0xA;
	s2 =	sadd.s32 s3, s2  }
0x8d: {  	s2 =	sadd.s32 s2, s17  }
0x8e: {  	[smem:$0x3FC6] =	sst s2  }
0x8f: {  	_ = 	snop  }
0x90: {  	s2 =	sld [smem:$0x3FC8]  }
0x91: {  	s18 =	sld [smem:$0x3FD0];
	(tm) =	ssettm $0x1  }
0x92: {  	s4 =	sld [smem:$0x3FFB];
	_ =	sdelay $0x3  }
0x93: {  	_ =	strace s4  }
0x94: {  	s4 =	sld [smem:$0x3FFC];
	_ =	sdelay $0x3  }
0x95: {  	_ =	strace s4  }
0x96: {  	s4 =	sld [smem:$0x3FFD];
	_ =	sdelay $0x3  }
0x97: {  	_ =	strace s4  }
0x98: {  	_ =	strace $0x8FFFFFFF  }
0x99: {  	s19 =	sld [smem:$0x3FDB];
	_ =	sdelay $0x1  }
0x9a: {  	s5 =	simm.s32 $_scs_section_size  }
0x9b: {  	s6 =	simm.s32 $_size__tile_overlayer_lowered;
	s7 =	simm.s32 $_tile_overlayer_lowered  }
0x9c: {  	s22 =	simm.s32 $0x1BFF;
	s21 =	sshll.u32 s7, $0x1;
	s4 =	sadd.s32 s5, s19  }
0x9d: {  	s8 =	simm.s32 $0x0;
	s20 =	sshll.u32 s6, $0x1;
	s6 =	sadd.s32 s21, s4  }
0x9e: {  	[timem:s8], [sflag:s22] =	dma.local [hbm:s6], s20  }
0x9f: {  	_ =	swait.ge [sflag:s22], s20  }
0xa0: {  	s5 =	ssub.s32 $0x0, s20;
	[sflag:s22] =	ssyncset.done $0x0  }
0xa1: {  	[sflag:s22] =	ssyncadd.s32 s5;
	_ =	sdelay $0x1  }
0xa2: {  	s23 =	simm.s32 $0x1B8B  }
0xa3: {  	_ =	swait.ge [sflag:s23], $0x1  }
0xa4: {  	[sflag:s23] =	ssyncset.done $0x0  }
0xa5: {  	s25 =	simm.s32 $0x1B8E;
	s24 =	sld [smem:$0x3FFE];
	[sflag:s23] =	ssyncadd.s32 $0xFFFFFFFF  }
0xa6: {  	s26 =	simm.s32 $execute0_lowered;
	[smem:$0x3FD2] =	sst s25  }
0xa7: {  	s6 =	sshll.u32 s26, $0x1;
	_ =	strace $0x80000046;
	[dreg:$0x1] =	wrdreg $0xFFFFFFFF  }
0xa8: {  	s28 =	simm.s32 $_size_execute0_lowered;
	s4 =	sadd.s32 s4, s6;
	[dreg:$0x0] =	wrdreg $0x0  }
0xa9: {  	s6 =	sshll.u32 s28, $0x1;
	[dreg:$0x2] =	wrdreg s4  }
0xaa: {  	[dreg:$0x3] =	wrdreg s6  }
0xab: {  	[dreg:$0x4] =	wrdreg $0xC0  }
0xac: {  	_ =	task [dreg:s8], $0x5FFFF  }
0xad: {  	[dreg:$0x1] =	wrdreg $0xFFFFFFFF  }
0xae: {  	[dreg:$0x0] =	wrdreg $0x60  }
0xaf: {  	[dreg:$0x2] =	wrdreg s24  }
0xb0: {  	[dreg:$0x3] =	wrdreg s2  }
0xb1: {  	[dreg:$0x4] =	wrdreg s18  }
0xb2: {  	[dreg:$0x5] =	wrdreg $0x9  }
0xb3: {  	_ =	task.clear_ibuf [dreg:s8], $0x6FFFF;
	_ =	strace $0x90000046  }
0xb4: {  	s29 =	simm.s32 $0x9;
	_ =	strace $0x80000048  }
0xb5: {  	_ =	swait.ge [sflag:s29], $0x1  }
0xb6: {  	[sflag:s29] =	ssyncadd.s32 $0xFFFFFFFF  }
0xb7: {  	_ =	strace $0x90000048  }
0xb8: {  	_ =	sfence  }
0xb9: {  	s30 =	sld [smem:$0x0];
	_ =	sdelay $0x2  }
0xba: {  	s31 =	sshll.u32 s1, $0xD;
	s1 =	sshrl.u32 s1, $0x2  }
0xbb: {  	s3 =	sand.u32 $0x4000, s31;
	s1 =	sadd.s32 s1, s30  }
0xbc: {  	s0 =	sor.u32 s3, s0;
	s1 =	sshll.u32 s1, $0x11  }
0xbd: {  	s0 =	sor.u32 s1, s0  }
0xbe: {  	s0 =	sadd.s32 $0x8F2B, s0  }
0xbf: {  	[sflag:s0] =	ssyncadd.remote.s32 $0x1  }
0xc0: {  	_ =	sfence.sel $0xFFFF  }
0xc1: {  	[dreg:$0x0] =	wrdreg $0xFFFFFFFF;
	(pc) =	sbr.abs _section_cstart, $3  }
0xc2: {  	[dreg:$0x1] =	wrdreg $0xFFFFFFFF  }
0xc3: {  	_ =	task.clear_ibuf [dreg:s8], $0x2FFFF;
	_ =	strace $0x9FFFFFFF  }
0xc4: {  	(tm) =	ssettm $0x7FFFFFFF  }
0xc5: {  	_ =	shalt  }
tec
execute0_lowered:
.L_overlay_start_1:
0x0: {  	(tag) =	ssettag $0x1  }
0x1: {  	s0 =	rddreg [dreg:$0x0]  }
0x2: {  	s31 =	rddreg [dreg:$0x1];
	s1 =	srdreg.scid  }
0x3: {  	s3 =	stileid.u32;
	s22 =	rddreg [dreg:$0x2];
	s4 =	simm.s32 $0x0  }
0x4: {  	s28 =	simm.s32 $0x3000;
	s29 =	simm.s32 $0x3800;
	s1 =	sand.u32 $0x1, s1  }
0x5: {  	s5 =	sshll.u32 s3, $0x1;
	[smem:$0x7FF] =	sst s4;
	s8 =	sadd.s32 $0x600, s31  }
0x6: {  	s9 =	sadd.s32 $0x800, s31;
	s10 =	sadd.s32 $0xA00, s31;
	s11 =	sadd.s32 $0xC00, s31  }
0x7: {  	s12 =	sadd.s32 $0xE00, s31;
	s13 =	sadd.s32 $0x1000, s31;
	s14 =	sadd.s32 $0x1200, s31  }
0x8: {  	s15 =	sadd.s32 $0x1400, s31;
	s16 =	sadd.s32 $0x1600, s31;
	s17 =	sadd.s32 $0x1800, s31  }
0x9: {  	s18 =	sadd.s32 $0x1A00, s31;
	s19 =	sadd.s32 $0x1C00, s31;
	s20 =	sadd.s32 $0x1E00, s31  }
0xa: {  	s23 =	sshll.u32 s3, $0x13;
	s3 =	simm.s32 $0x6000;
	s5 =	sor.u32 s1, s5  }
0xb: {  	s7 =	ssub.s32 $0x2, s1;
	_ =	strace $0x80000047;
	s1 =	sshll.u32 s1, $0x12  }
0xc: {  	s6 =	sshll.u32 s5, $0xA;
	s2 =	sshrl.u32 s7, $0x1;
	s5 =	sshll.u32 s5, $0x12  }
0xd: {  	s0 =	sadd.s32 s6, s0;
	s21 =	ssub.s32 s7, s2;
	s5 =	sadd.s32 s22, s5  }
0xe: {  	s6 =	sadd.s32 $0x200, s31;
	s0 =	sadd.s32 $0x400, s0;
	[dreg:$0x6] =	wrdreg s5  }
0xf: {  	s7 =	sadd.s32 $0x400, s31;
	s24 =	sadd.s32 $0x40, s5;
	[dreg:$0x5] =	wrdreg s0  }
0x10: {  	s22 =	simm.s32 $0x0;
	s25 =	sadd.s32 $0x3E000, s5;
	[dreg:$0x7] =	wrdreg s24  }
0x11: {  	s26 =	sadd.s32 $0x3E040, s5;
	s30 =	smax.u32 s21, $0x1;
	[dreg:$0x8] =	wrdreg s25  }
0x12: {  	v0 =	vlaneseq.u32;
	s5 =	simm.s32 $0x4000;
	s21 =	simm.s32 $0x4800;
	[dreg:$0x9] =	wrdreg s26  }
0x13: {  	v1 =	vshrl.u32 v0, $0x2;
	s0 =	sor.u32 s1, s23;
	[dreg:$0xa] =	wrdreg s30;
	s25 =	simm.s32 $0x2800  }
0x14: {  	vm0 =	vmmov $0xffff;
	v0 =	vand.u32 $0x3, v0;
	v1 =	vmul.u32 $0x8, v1;
	s23 =	simm.s32 $0x5000;
	s26 =	simm.s32 $0x5800;
	[dreg:$0x4] =	wrdreg s0  }
.LBB2_1:
0x15: {  	[dreg:$0xb] =	wrdreg s22  }
0x16: {  	s1 =	rddreg [dreg:$0x5];
	s24 =	simm.s32 $0x3  }
0x17: {  	[tilespmem:s4], [sflag:$0x3] =	stream.linear.gather [hbm4b:s1+s4], $0x2000, $0x38;
	[tilespmem:$0x1A000] =	vst v63  }
0x18: {  	_ =	swait.ge [sflag:s24], $0x2000  }
0x19: {  	[sflag:s24] =	ssyncset.done $0x0  }
0x1a: {  	[sflag:s24] =	ssyncadd.s32 $0xFFFFE000  }
0x1b: {  	v2 =	vld.msk [tilespmem:$0x0], $0xf;
	_ =	sdelay $0x4  }
0x1c: {  	v3 =	vshll.u32 v2, $0x6  }
0x1d: {  	v2 =	vand.u32 $0x7, v2;
	v3 =	vand.u32 $0xFFFFFE00, v3  }
0x1e: {  	v2 =	vor.u32 v2, v3  }
0x1f: {  	v2 =	vperm.xlane v2, v0;
	_ =	sdelay $0x1  }
0x20: {  	v2 =	vadd.s32 v1, v2;
	_ =	sdelay $0x3  }
0x21: {  	s24 =	simm.s32 $0x2000  }
0x22: {  	[tilespmem:s24], [sflag:$0x1] =	stream.indirect_vreg.gather [hbm4b:s31+s4], $0x80, v2, vm0, $0xb8;
	[tilespmem:$0x1A000] =	vst v63  }
0x23: {  	_ = 	snop  }
0x24: {  	[tilespmem:s25], [sflag:$0x1] =	stream.indirect_vreg.gather [hbm4b:s6+s4], $0x80, v2, vm0, $0xb8;
	[tilespmem:$0x1A000] =	vst v63  }
0x25: {  	_ = 	snop  }
0x26: {  	[tilespmem:s28], [sflag:$0x1] =	stream.indirect_vreg.gather [hbm4b:s7+s4], $0x80, v2, vm0, $0xb8;
	[tilespmem:$0x1A000] =	vst v63  }
0x27: {  	_ = 	snop  }
0x28: {  	[tilespmem:s29], [sflag:$0x1] =	stream.indirect_vreg.gather [hbm4b:s8+s4], $0x80, v2, vm0, $0xb8;
	[tilespmem:$0x1A000] =	vst v63  }
0x29: {  	_ = 	snop  }
0x2a: {  	[tilespmem:s5], [sflag:$0x1] =	stream.indirect_vreg.gather [hbm4b:s9+s4], $0x80, v2, vm0, $0xb8;
	[tilespmem:$0x1A000] =	vst v63  }
0x2b: {  	_ = 	snop  }
0x2c: {  	[tilespmem:s21], [sflag:$0x1] =	stream.indirect_vreg.gather [hbm4b:s10+s4], $0x80, v2, vm0, $0xb8;
	[tilespmem:$0x1A000] =	vst v63  }
0x2d: {  	_ = 	snop  }
0x2e: {  	[tilespmem:s23], [sflag:$0x1] =	stream.indirect_vreg.gather [hbm4b:s11+s4], $0x80, v2, vm0, $0xb8;
	[tilespmem:$0x1A000] =	vst v63  }
0x2f: {  	_ = 	snop  }
0x30: {  	[tilespmem:s26], [sflag:$0x1] =	stream.indirect_vreg.gather [hbm4b:s12+s4], $0x80, v2, vm0, $0xb8;
	[tilespmem:$0x1A000] =	vst v63  }
0x31: {  	_ = 	snop  }
0x32: {  	[tilespmem:s3], [sflag:$0x1] =	stream.indirect_vreg.gather [hbm4b:s13+s4], $0x80, v2, vm0, $0xb8;
	[tilespmem:$0x1A000] =	vst v63  }
0x33: {  	s0 =	simm.s32 $0x6800  }
0x34: {  	[tilespmem:s0], [sflag:$0x1] =	stream.indirect_vreg.gather [hbm4b:s14+s4], $0x80, v2, vm0, $0xb8;
	[tilespmem:$0x1A000] =	vst v63  }
0x35: {  	s30 =	simm.s32 $0x7000  }
0x36: {  	[tilespmem:s30], [sflag:$0x1] =	stream.indirect_vreg.gather [hbm4b:s15+s4], $0x80, v2, vm0, $0xb8;
	[tilespmem:$0x1A000] =	vst v63  }
0x37: {  	s1 =	simm.s32 $0x7800  }
0x38: {  	[tilespmem:s1], [sflag:$0x1] =	stream.indirect_vreg.gather [hbm4b:s16+s4], $0x80, v2, vm0, $0xb8;
	[tilespmem:$0x1A000] =	vst v63  }
0x39: {  	s2 =	simm.s32 $0x8000  }
0x3a: {  	[tilespmem:s2], [sflag:$0x1] =	stream.indirect_vreg.gather [hbm4b:s17+s4], $0x80, v2, vm0, $0xb8;
	[tilespmem:$0x1A000] =	vst v63  }
0x3b: {  	s22 =	simm.s32 $0x8800  }
0x3c: {  	[tilespmem:s22], [sflag:$0x1] =	stream.indirect_vreg.gather [hbm4b:s18+s4], $0x80, v2, vm0, $0xb8;
	[tilespmem:$0x1A000] =	vst v63  }
0x3d: {  	s30 =	simm.s32 $0x9000  }
0x3e: {  	[tilespmem:s30], [sflag:$0x1] =	stream.indirect_vreg.gather [hbm4b:s19+s4], $0x80, v2, vm0, $0xb8;
	[tilespmem:$0x1A000] =	vst v63  }
0x3f: {  	s1 =	simm.s32 $0x9800  }
0x40: {  	[tilespmem:s1], [sflag:$0x1] =	stream.indirect_vreg.gather [hbm4b:s20+s4], $0x80, v2, vm0, $0xb8;
	[tilespmem:$0x1A000] =	vst v63  }
0x41: {  	v2 =	vld.msk [tilespmem:$0x80], $0xf;
	_ =	sdelay $0x4  }
0x42: {  	v3 =	vshll.u32 v2, $0x6  }
0x43: {  	v2 =	vand.u32 $0x7, v2;
	v3 =	vand.u32 $0xFFFFFE00, v3  }
0x44: {  	v2 =	vor.u32 v2, v3  }
0x45: {  	v2 =	vperm.xlane v2, v0;
	_ =	sdelay $0x1  }
0x46: {  	v2 =	vadd.s32 v1, v2;
	_ =	sdelay $0x3  }
0x47: {  	s0 =	simm.s32 $0xA000  }
0x48: {  	[tilespmem:s0], [sflag:$0x1] =	stream.indirect_vreg.gather [hbm4b:s31+s4], $0x80, v2, vm0, $0xb8;
	[tilespmem:$0x1A000] =	vst v63  }
0x49: {  	s2 =	simm.s32 $0xA800  }
0x4a: {  	[tilespmem:s2], [sflag:$0x1] =	stream.indirect_vreg.gather [hbm4b:s6+s4], $0x80, v2, vm0, $0xb8;
	[tilespmem:$0x1A000] =	vst v63  }
0x4b: {  	s22 =	simm.s32 $0xB000  }
0x4c: {  	[tilespmem:s22], [sflag:$0x1] =	stream.indirect_vreg.gather [hbm4b:s7+s4], $0x80, v2, vm0, $0xb8;
	[tilespmem:$0x1A000] =	vst v63  }
0x4d: {  	s30 =	simm.s32 $0xB800  }
0x4e: {  	[tilespmem:s30], [sflag:$0x1] =	stream.indirect_vreg.gather [hbm4b:s8+s4], $0x80, v2, vm0, $0xb8;
	[tilespmem:$0x1A000] =	vst v63  }
0x4f: {  	s2 =	simm.s32 $0xC000  }
0x50: {  	[tilespmem:s2], [sflag:$0x1] =	stream.indirect_vreg.gather [hbm4b:s9+s4], $0x80, v2, vm0, $0xb8;
	[tilespmem:$0x1A000] =	vst v63  }
0x51: {  	s22 =	simm.s32 $0xC800  }
0x52: {  	[tilespmem:s22], [sflag:$0x1] =	stream.indirect_vreg.gather [hbm4b:s10+s4], $0x80, v2, vm0, $0xb8;
	[tilespmem:$0x1A000] =	vst v63  }
0x53: {  	s30 =	simm.s32 $0xD000  }
0x54: {  	[tilespmem:s30], [sflag:$0x1] =	stream.indirect_vreg.gather [hbm4b:s11+s4], $0x80, v2, vm0, $0xb8;
	[tilespmem:$0x1A000] =	vst v63  }
0x55: {  	s2 =	simm.s32 $0xD800  }
0x56: {  	[tilespmem:s2], [sflag:$0x1] =	stream.indirect_vreg.gather [hbm4b:s12+s4], $0x80, v2, vm0, $0xb8;
	[tilespmem:$0x1A000] =	vst v63  }
0x57: {  	s22 =	simm.s32 $0xE000  }
0x58: {  	[tilespmem:s22], [sflag:$0x1] =	stream.indirect_vreg.gather [hbm4b:s13+s4], $0x80, v2, vm0, $0xb8;
	[tilespmem:$0x1A000] =	vst v63  }
0x59: {  	s30 =	simm.s32 $0xE800  }
0x5a: {  	[tilespmem:s30], [sflag:$0x1] =	stream.indirect_vreg.gather [hbm4b:s14+s4], $0x80, v2, vm0, $0xb8;
	[tilespmem:$0x1A000] =	vst v63  }
0x5b: {  	s2 =	simm.s32 $0xF000  }
0x5c: {  	[tilespmem:s2], [sflag:$0x1] =	stream.indirect_vreg.gather [hbm4b:s15+s4], $0x80, v2, vm0, $0xb8;
	[tilespmem:$0x1A000] =	vst v63  }
0x5d: {  	s22 =	simm.s32 $0xF800  }
0x5e: {  	[tilespmem:s22], [sflag:$0x1] =	stream.indirect_vreg.gather [hbm4b:s16+s4], $0x80, v2, vm0, $0xb8;
	[tilespmem:$0x1A000] =	vst v63  }
0x5f: {  	s30 =	simm.s32 $0x10000  }
0x60: {  	[tilespmem:s30], [sflag:$0x1] =	stream.indirect_vreg.gather [hbm4b:s17+s4], $0x80, v2, vm0, $0xb8;
	[tilespmem:$0x1A000] =	vst v63  }
0x61: {  	s2 =	simm.s32 $0x10800  }
0x62: {  	[tilespmem:s2], [sflag:$0x1] =	stream.indirect_vreg.gather [hbm4b:s18+s4], $0x80, v2, vm0, $0xb8;
	[tilespmem:$0x1A000] =	vst v63  }
0x63: {  	s22 =	simm.s32 $0x11000  }
0x64: {  	[tilespmem:s22], [sflag:$0x1] =	stream.indirect_vreg.gather [hbm4b:s19+s4], $0x80, v2, vm0, $0xb8;
	[tilespmem:$0x1A000] =	vst v63  }
0x65: {  	s30 =	simm.s32 $0x11800;
	s2 =	simm.s32 $0x1  }
0x66: {  	[tilespmem:s30], [sflag:$0x1] =	stream.indirect_vreg.gather [hbm4b:s20+s4], $0x80, v2, vm0, $0xb8;
	[tilespmem:$0x1A000] =	vst v63  }
0x67: {  	_ =	swait.ge [sflag:s2], $0x8000  }
0x68: {  	s22 =	simm.s32 $0x200;
	[sflag:s2] =	ssyncset.done $0x0  }
0x69: {  	s30 =	simm.s32 $0x400;
	s1 =	rddreg [dreg:$0x6];
	[sflag:s2] =	ssyncadd.s32 $0xFFFF8000  }
0x6a: {  	[hbm4b:s1+s22] =	stream.strided.scatter [tilespmem:s24], [sflag:$0x2], $0x8000, s30, s22, $0x38;
	[tilespmem:$0x1A000] =	vst v63  }
0x6b: {  	v2 =	vld.msk [tilespmem:$0x100], $0xf;
	_ =	sdelay $0x4  }
0x6c: {  	v3 =	vshll.u32 v2, $0x6  }
0x6d: {  	v2 =	vand.u32 $0x7, v2;
	v3 =	vand.u32 $0xFFFFFE00, v3  }
0x6e: {  	v2 =	vor.u32 v2, v3  }
0x6f: {  	v2 =	vperm.xlane v2, v0;
	_ =	sdelay $0x1  }
0x70: {  	v2 =	vadd.s32 v1, v2;
	_ =	sdelay $0x3  }
0x71: {  	s1 =	simm.s32 $0x12000  }
0x72: {  	[tilespmem:s1], [sflag:$0x1] =	stream.indirect_vreg.gather [hbm4b:s31+s4], $0x80, v2, vm0, $0xb8;
	[tilespmem:$0x1A000] =	vst v63  }
0x73: {  	s1 =	simm.s32 $0x12800  }
0x74: {  	[tilespmem:s1], [sflag:$0x1] =	stream.indirect_vreg.gather [hbm4b:s6+s4], $0x80, v2, vm0, $0xb8;
	[tilespmem:$0x1A000] =	vst v63  }
0x75: {  	s1 =	simm.s32 $0x13000  }
0x76: {  	[tilespmem:s1], [sflag:$0x1] =	stream.indirect_vreg.gather [hbm4b:s7+s4], $0x80, v2, vm0, $0xb8;
	[tilespmem:$0x1A000] =	vst v63  }
0x77: {  	s1 =	simm.s32 $0x13800  }
0x78: {  	[tilespmem:s1], [sflag:$0x1] =	stream.indirect_vreg.gather [hbm4b:s8+s4], $0x80, v2, vm0, $0xb8;
	[tilespmem:$0x1A000] =	vst v63  }
0x79: {  	s1 =	simm.s32 $0x14000  }
0x7a: {  	[tilespmem:s1], [sflag:$0x1] =	stream.indirect_vreg.gather [hbm4b:s9+s4], $0x80, v2, vm0, $0xb8;
	[tilespmem:$0x1A000] =	vst v63  }
0x7b: {  	s1 =	simm.s32 $0x14800  }
0x7c: {  	[tilespmem:s1], [sflag:$0x1] =	stream.indirect_vreg.gather [hbm4b:s10+s4], $0x80, v2, vm0, $0xb8;
	[tilespmem:$0x1A000] =	vst v63  }
0x7d: {  	s1 =	simm.s32 $0x15000  }
0x7e: {  	[tilespmem:s1], [sflag:$0x1] =	stream.indirect_vreg.gather [hbm4b:s11+s4], $0x80, v2, vm0, $0xb8;
	[tilespmem:$0x1A000] =	vst v63  }
0x7f: {  	s1 =	simm.s32 $0x15800  }
0x80: {  	[tilespmem:s1], [sflag:$0x1] =	stream.indirect_vreg.gather [hbm4b:s12+s4], $0x80, v2, vm0, $0xb8;
	[tilespmem:$0x1A000] =	vst v63  }
0x81: {  	s1 =	simm.s32 $0x16000  }
0x82: {  	[tilespmem:s1], [sflag:$0x1] =	stream.indirect_vreg.gather [hbm4b:s13+s4], $0x80, v2, vm0, $0xb8;
	[tilespmem:$0x1A000] =	vst v63  }
0x83: {  	s1 =	simm.s32 $0x16800  }
0x84: {  	[tilespmem:s1], [sflag:$0x1] =	stream.indirect_vreg.gather [hbm4b:s14+s4], $0x80, v2, vm0, $0xb8;
	[tilespmem:$0x1A000] =	vst v63  }
0x85: {  	s1 =	simm.s32 $0x17000  }
0x86: {  	[tilespmem:s1], [sflag:$0x1] =	stream.indirect_vreg.gather [hbm4b:s15+s4], $0x80, v2, vm0, $0xb8;
	[tilespmem:$0x1A000] =	vst v63  }
0x87: {  	s1 =	simm.s32 $0x17800  }
0x88: {  	[tilespmem:s1], [sflag:$0x1] =	stream.indirect_vreg.gather [hbm4b:s16+s4], $0x80, v2, vm0, $0xb8;
	[tilespmem:$0x1A000] =	vst v63  }
0x89: {  	s1 =	simm.s32 $0x18000  }
0x8a: {  	[tilespmem:s1], [sflag:$0x1] =	stream.indirect_vreg.gather [hbm4b:s17+s4], $0x80, v2, vm0, $0xb8;
	[tilespmem:$0x1A000] =	vst v63  }
0x8b: {  	s1 =	simm.s32 $0x18800  }
0x8c: {  	[tilespmem:s1], [sflag:$0x1] =	stream.indirect_vreg.gather [hbm4b:s18+s4], $0x80, v2, vm0, $0xb8;
	[tilespmem:$0x1A000] =	vst v63  }
0x8d: {  	s1 =	simm.s32 $0x19000  }
0x8e: {  	[tilespmem:s1], [sflag:$0x1] =	stream.indirect_vreg.gather [hbm4b:s19+s4], $0x80, v2, vm0, $0xb8;
	[tilespmem:$0x1A000] =	vst v63  }
0x8f: {  	s1 =	simm.s32 $0x19800  }
0x90: {  	[tilespmem:s1], [sflag:$0x1] =	stream.indirect_vreg.gather [hbm4b:s20+s4], $0x80, v2, vm0, $0xb8;
	[tilespmem:$0x1A000] =	vst v63  }
0x91: {  	_ =	swait.ge [sflag:s2], $0x8000  }
0x92: {  	[sflag:s2] =	ssyncset.done $0x0  }
0x93: {  	[sflag:s2] =	ssyncadd.s32 $0xFFFF8000;
	s2 =	rddreg [dreg:$0x7]  }
0x94: {  	[hbm4b:s2+s22] =	stream.strided.scatter [tilespmem:s0], [sflag:$0x2], $0x8000, s30, s22, $0x38;
	[tilespmem:$0x1A000] =	vst v63  }
0x95: {  	s22 =	simm.s32 $0x2  }
0x96: {  	_ =	swait.ge [sflag:s22], $0x8000  }
0x97: {  	[sflag:s22] =	ssyncset.done $0x0  }
0x98: {  	[sflag:s22] =	ssyncadd.s32 $0xFFFF8000  }
0x99: {  	v2 =	vld.msk [tilespmem:$0x180], $0xf;
	_ =	sdelay $0x4  }
0x9a: {  	v3 =	vshll.u32 v2, $0x6  }
0x9b: {  	v2 =	vand.u32 $0x7, v2;
	v3 =	vand.u32 $0xFFFFFE00, v3  }
0x9c: {  	v2 =	vor.u32 v2, v3  }
0x9d: {  	v2 =	vperm.xlane v2, v0;
	_ =	sdelay $0x1  }
0x9e: {  	v2 =	vadd.s32 v1, v2;
	_ =	sdelay $0x4  }
0x9f: {  	[tilespmem:s24], [sflag:$0x1] =	stream.indirect_vreg.gather [hbm4b:s31+s4], $0x80, v2, vm0, $0xb8;
	[tilespmem:$0x1A000] =	vst v63  }
0xa0: {  	_ = 	snop  }
0xa1: {  	[tilespmem:s25], [sflag:$0x1] =	stream.indirect_vreg.gather [hbm4b:s6+s4], $0x80, v2, vm0, $0xb8;
	[tilespmem:$0x1A000] =	vst v63  }
0xa2: {  	_ = 	snop  }
0xa3: {  	[tilespmem:s28], [sflag:$0x1] =	stream.indirect_vreg.gather [hbm4b:s7+s4], $0x80, v2, vm0, $0xb8;
	[tilespmem:$0x1A000] =	vst v63  }
0xa4: {  	_ = 	snop  }
0xa5: {  	[tilespmem:s29], [sflag:$0x1] =	stream.indirect_vreg.gather [hbm4b:s8+s4], $0x80, v2, vm0, $0xb8;
	[tilespmem:$0x1A000] =	vst v63  }
0xa6: {  	_ = 	snop  }
0xa7: {  	[tilespmem:s5], [sflag:$0x1] =	stream.indirect_vreg.gather [hbm4b:s9+s4], $0x80, v2, vm0, $0xb8;
	[tilespmem:$0x1A000] =	vst v63  }
0xa8: {  	_ = 	snop  }
0xa9: {  	[tilespmem:s21], [sflag:$0x1] =	stream.indirect_vreg.gather [hbm4b:s10+s4], $0x80, v2, vm0, $0xb8;
	[tilespmem:$0x1A000] =	vst v63  }
0xaa: {  	_ = 	snop  }
0xab: {  	[tilespmem:s23], [sflag:$0x1] =	stream.indirect_vreg.gather [hbm4b:s11+s4], $0x80, v2, vm0, $0xb8;
	[tilespmem:$0x1A000] =	vst v63  }
0xac: {  	_ = 	snop  }
0xad: {  	[tilespmem:s26], [sflag:$0x1] =	stream.indirect_vreg.gather [hbm4b:s12+s4], $0x80, v2, vm0, $0xb8;
	[tilespmem:$0x1A000] =	vst v63  }
0xae: {  	_ = 	snop  }
0xaf: {  	[tilespmem:s3], [sflag:$0x1] =	stream.indirect_vreg.gather [hbm4b:s13+s4], $0x80, v2, vm0, $0xb8;
	[tilespmem:$0x1A000] =	vst v63  }
0xb0: {  	s23 =	simm.s32 $0x6800  }
0xb1: {  	[tilespmem:s23], [sflag:$0x1] =	stream.indirect_vreg.gather [hbm4b:s14+s4], $0x80, v2, vm0, $0xb8;
	[tilespmem:$0x1A000] =	vst v63  }
0xb2: {  	s24 =	simm.s32 $0x7000  }
0xb3: {  	[tilespmem:s24], [sflag:$0x1] =	stream.indirect_vreg.gather [hbm4b:s15+s4], $0x80, v2, vm0, $0xb8;
	[tilespmem:$0x1A000] =	vst v63  }
0xb4: {  	s25 =	simm.s32 $0x7800  }
0xb5: {  	[tilespmem:s25], [sflag:$0x1] =	stream.indirect_vreg.gather [hbm4b:s16+s4], $0x80, v2, vm0, $0xb8;
	[tilespmem:$0x1A000] =	vst v63  }
0xb6: {  	s26 =	simm.s32 $0x8000  }
0xb7: {  	[tilespmem:s26], [sflag:$0x1] =	stream.indirect_vreg.gather [hbm4b:s17+s4], $0x80, v2, vm0, $0xb8;
	[tilespmem:$0x1A000] =	vst v63  }
0xb8: {  	s28 =	simm.s32 $0x8800  }
0xb9: {  	[tilespmem:s28], [sflag:$0x1] =	stream.indirect_vreg.gather [hbm4b:s18+s4], $0x80, v2, vm0, $0xb8;
	[tilespmem:$0x1A000] =	vst v63  }
0xba: {  	s30 =	simm.s32 $0x9800;
	s29 =	simm.s32 $0x9000;
	s5 =	simm.s32 $0x0  }
0xbb: {  	[tilespmem:s29], [sflag:$0x1] =	stream.indirect_vreg.gather [hbm4b:s19+s4], $0x80, v2, vm0, $0xb8;
	[tilespmem:$0x1A000] =	vst v63  }
0xbc: {  	s21 =	simm.s32 $0x300;
	s23 =	simm.s32 $0xC0;
	s26 =	simm.s32 $0x0  }
0xbd: {  	[tilespmem:s30], [sflag:$0x1] =	stream.indirect_vreg.gather [hbm4b:s20+s4], $0x80, v2, vm0, $0xb8;
	[tilespmem:$0x1A000] =	vst v63  }
.LBB2_2:
0xbe: {  	s2 =	simm.s32 $0x1  }
0xbf: {  	_ =	swait.ge [sflag:s2], $0x8000  }
0xc0: {  	s3 =	sand.u32 $0x40, s26;
	s25 =	rddreg [dreg:$0x4]  }
0xc1: {  	s30 =	simm.s32 $0x12000;
	[sflag:s2] =	ssyncset.done $0x0;
	s29 =	sadd.s32 s5, s25  }
0xc2: {  	s24 =	simm.s32 $0x200;
	s1 =	rddreg [dreg:$0x2];
	s25 =	sadd.s32 $0x2000, s29  }
0xc3: {  	s22 =	simm.s32 $0x400;
	s28 =	sand.u32 $0xFFFE000, s25;
	s25 =	sadd.s32 s1, s3  }
0xc4: {  	s0 =	simm.s32 $0x2;
	[sflag:s2] =	ssyncadd.s32 $0xFFFF8000;
	s3 =	sadd.s32 s28, s25  }
0xc5: {  	[hbm4b:s3+s24] =	stream.strided.scatter [tilespmem:s30], [sflag:$0x2], $0x8000, s22, s24, $0x38;
	[tilespmem:$0x1A000] =	vst v63  }
0xc6: {  	_ =	swait.ge [sflag:s0], $0x8000  }
0xc7: {  	[sflag:s0] =	ssyncset.done $0x0  }
0xc8: {  	[sflag:s0] =	ssyncadd.s32 $0xFFFF8000  }
0xc9: {  	v2 =	vld.msk [tilespmem:s21+$0xFFFFFF00], $0xf;
	_ =	sdelay $0x4  }
0xca: {  	v3 =	vshll.u32 v2, $0x6  }
0xcb: {  	v2 =	vand.u32 $0x7, v2;
	v3 =	vand.u32 $0xFFFFFE00, v3  }
0xcc: {  	v2 =	vor.u32 v2, v3  }
0xcd: {  	v2 =	vperm.xlane v2, v0;
	_ =	sdelay $0x1  }
0xce: {  	v2 =	vadd.s32 v1, v2;
	_ =	sdelay $0x3  }
0xcf: {  	s3 =	simm.s32 $0xA000  }
0xd0: {  	[tilespmem:s3], [sflag:$0x1] =	stream.indirect_vreg.gather [hbm4b:s31+s4], $0x80, v2, vm0, $0xb8;
	[tilespmem:$0x1A000] =	vst v63  }
0xd1: {  	s3 =	simm.s32 $0xA800  }
0xd2: {  	[tilespmem:s3], [sflag:$0x1] =	stream.indirect_vreg.gather [hbm4b:s6+s4], $0x80, v2, vm0, $0xb8;
	[tilespmem:$0x1A000] =	vst v63  }
0xd3: {  	s3 =	simm.s32 $0xB000  }
0xd4: {  	[tilespmem:s3], [sflag:$0x1] =	stream.indirect_vreg.gather [hbm4b:s7+s4], $0x80, v2, vm0, $0xb8;
	[tilespmem:$0x1A000] =	vst v63  }
0xd5: {  	s3 =	simm.s32 $0xB800  }
0xd6: {  	[tilespmem:s3], [sflag:$0x1] =	stream.indirect_vreg.gather [hbm4b:s8+s4], $0x80, v2, vm0, $0xb8;
	[tilespmem:$0x1A000] =	vst v63  }
0xd7: {  	s3 =	simm.s32 $0xC000  }
0xd8: {  	[tilespmem:s3], [sflag:$0x1] =	stream.indirect_vreg.gather [hbm4b:s9+s4], $0x80, v2, vm0, $0xb8;
	[tilespmem:$0x1A000] =	vst v63  }
0xd9: {  	s3 =	simm.s32 $0xC800  }
0xda: {  	[tilespmem:s3], [sflag:$0x1] =	stream.indirect_vreg.gather [hbm4b:s10+s4], $0x80, v2, vm0, $0xb8;
	[tilespmem:$0x1A000] =	vst v63  }
0xdb: {  	s3 =	simm.s32 $0xD000  }
0xdc: {  	[tilespmem:s3], [sflag:$0x1] =	stream.indirect_vreg.gather [hbm4b:s11+s4], $0x80, v2, vm0, $0xb8;
	[tilespmem:$0x1A000] =	vst v63  }
0xdd: {  	s3 =	simm.s32 $0xD800  }
0xde: {  	[tilespmem:s3], [sflag:$0x1] =	stream.indirect_vreg.gather [hbm4b:s12+s4], $0x80, v2, vm0, $0xb8;
	[tilespmem:$0x1A000] =	vst v63  }
0xdf: {  	s3 =	simm.s32 $0xE000  }
0xe0: {  	[tilespmem:s3], [sflag:$0x1] =	stream.indirect_vreg.gather [hbm4b:s13+s4], $0x80, v2, vm0, $0xb8;
	[tilespmem:$0x1A000] =	vst v63  }
0xe1: {  	s3 =	simm.s32 $0xE800  }
0xe2: {  	[tilespmem:s3], [sflag:$0x1] =	stream.indirect_vreg.gather [hbm4b:s14+s4], $0x80, v2, vm0, $0xb8;
	[tilespmem:$0x1A000] =	vst v63  }
0xe3: {  	s3 =	simm.s32 $0xF000  }
0xe4: {  	[tilespmem:s3], [sflag:$0x1] =	stream.indirect_vreg.gather [hbm4b:s15+s4], $0x80, v2, vm0, $0xb8;
	[tilespmem:$0x1A000] =	vst v63  }
0xe5: {  	s3 =	simm.s32 $0xF800  }
0xe6: {  	[tilespmem:s3], [sflag:$0x1] =	stream.indirect_vreg.gather [hbm4b:s16+s4], $0x80, v2, vm0, $0xb8;
	[tilespmem:$0x1A000] =	vst v63  }
0xe7: {  	s3 =	simm.s32 $0x10000  }
0xe8: {  	[tilespmem:s3], [sflag:$0x1] =	stream.indirect_vreg.gather [hbm4b:s17+s4], $0x80, v2, vm0, $0xb8;
	[tilespmem:$0x1A000] =	vst v63  }
0xe9: {  	s3 =	simm.s32 $0x10800  }
0xea: {  	[tilespmem:s3], [sflag:$0x1] =	stream.indirect_vreg.gather [hbm4b:s18+s4], $0x80, v2, vm0, $0xb8;
	[tilespmem:$0x1A000] =	vst v63  }
0xeb: {  	s3 =	simm.s32 $0x11000  }
0xec: {  	[tilespmem:s3], [sflag:$0x1] =	stream.indirect_vreg.gather [hbm4b:s19+s4], $0x80, v2, vm0, $0xb8;
	[tilespmem:$0x1A000] =	vst v63  }
0xed: {  	s3 =	simm.s32 $0x11800  }
0xee: {  	[tilespmem:s3], [sflag:$0x1] =	stream.indirect_vreg.gather [hbm4b:s20+s4], $0x80, v2, vm0, $0xb8;
	[tilespmem:$0x1A000] =	vst v63  }
0xef: {  	s28 =	sand.u32 $0x40, s23;
	s3 =	sadd.s32 $0x3000, s29;
	_ =	swait.ge [sflag:s2], $0x8000  }
0xf0: {  	s28 =	sadd.s32 s1, s28;
	s3 =	sand.u32 $0xFFFE000, s3;
	[sflag:s2] =	ssyncset.done $0x0  }
0xf1: {  	s3 =	sadd.s32 s3, s28;
	s28 =	simm.s32 $0x2000;
	[sflag:s2] =	ssyncadd.s32 $0xFFFF8000  }
0xf2: {  	[hbm4b:s3+s24] =	stream.strided.scatter [tilespmem:s28], [sflag:$0x2], $0x8000, s22, s24, $0x38;
	[tilespmem:$0x1A000] =	vst v63  }
0xf3: {  	_ =	swait.ge [sflag:s0], $0x8000  }
0xf4: {  	[sflag:s0] =	ssyncset.done $0x0  }
0xf5: {  	[sflag:s0] =	ssyncadd.s32 $0xFFFF8000  }
0xf6: {  	v2 =	vld.msk [tilespmem:s21+$0xFFFFFF80], $0xf;
	_ =	sdelay $0x4  }
0xf7: {  	v3 =	vshll.u32 v2, $0x6  }
0xf8: {  	v2 =	vand.u32 $0x7, v2;
	v3 =	vand.u32 $0xFFFFFE00, v3  }
0xf9: {  	v2 =	vor.u32 v2, v3  }
0xfa: {  	v2 =	vperm.xlane v2, v0;
	_ =	sdelay $0x1  }
0xfb: {  	v2 =	vadd.s32 v1, v2;
	_ =	sdelay $0x4  }
0xfc: {  	[tilespmem:s30], [sflag:$0x1] =	stream.indirect_vreg.gather [hbm4b:s31+s4], $0x80, v2, vm0, $0xb8;
	[tilespmem:$0x1A000] =	vst v63  }
0xfd: {  	s30 =	simm.s32 $0x12800  }
0xfe: {  	[tilespmem:s30], [sflag:$0x1] =	stream.indirect_vreg.gather [hbm4b:s6+s4], $0x80, v2, vm0, $0xb8;
	[tilespmem:$0x1A000] =	vst v63  }
0xff: {  	s1 =	simm.s32 $0x13000  }
0x100: {  	[tilespmem:s1], [sflag:$0x1] =	stream.indirect_vreg.gather [hbm4b:s7+s4], $0x80, v2, vm0, $0xb8;
	[tilespmem:$0x1A000] =	vst v63  }
0x101: {  	s30 =	simm.s32 $0x13800  }
0x102: {  	[tilespmem:s30], [sflag:$0x1] =	stream.indirect_vreg.gather [hbm4b:s8+s4], $0x80, v2, vm0, $0xb8;
	[tilespmem:$0x1A000] =	vst v63  }
0x103: {  	s1 =	simm.s32 $0x14000  }
0x104: {  	[tilespmem:s1], [sflag:$0x1] =	stream.indirect_vreg.gather [hbm4b:s9+s4], $0x80, v2, vm0, $0xb8;
	[tilespmem:$0x1A000] =	vst v63  }
0x105: {  	s30 =	simm.s32 $0x14800  }
0x106: {  	[tilespmem:s30], [sflag:$0x1] =	stream.indirect_vreg.gather [hbm4b:s10+s4], $0x80, v2, vm0, $0xb8;
	[tilespmem:$0x1A000] =	vst v63  }
0x107: {  	s1 =	simm.s32 $0x15000  }
0x108: {  	[tilespmem:s1], [sflag:$0x1] =	stream.indirect_vreg.gather [hbm4b:s11+s4], $0x80, v2, vm0, $0xb8;
	[tilespmem:$0x1A000] =	vst v63  }
0x109: {  	s30 =	simm.s32 $0x15800  }
0x10a: {  	[tilespmem:s30], [sflag:$0x1] =	stream.indirect_vreg.gather [hbm4b:s12+s4], $0x80, v2, vm0, $0xb8;
	[tilespmem:$0x1A000] =	vst v63  }
0x10b: {  	s1 =	simm.s32 $0x16000  }
0x10c: {  	[tilespmem:s1], [sflag:$0x1] =	stream.indirect_vreg.gather [hbm4b:s13+s4], $0x80, v2, vm0, $0xb8;
	[tilespmem:$0x1A000] =	vst v63  }
0x10d: {  	s30 =	simm.s32 $0x16800  }
0x10e: {  	[tilespmem:s30], [sflag:$0x1] =	stream.indirect_vreg.gather [hbm4b:s14+s4], $0x80, v2, vm0, $0xb8;
	[tilespmem:$0x1A000] =	vst v63  }
0x10f: {  	s1 =	simm.s32 $0x17000  }
0x110: {  	[tilespmem:s1], [sflag:$0x1] =	stream.indirect_vreg.gather [hbm4b:s15+s4], $0x80, v2, vm0, $0xb8;
	[tilespmem:$0x1A000] =	vst v63  }
0x111: {  	s30 =	simm.s32 $0x17800  }
0x112: {  	[tilespmem:s30], [sflag:$0x1] =	stream.indirect_vreg.gather [hbm4b:s16+s4], $0x80, v2, vm0, $0xb8;
	[tilespmem:$0x1A000] =	vst v63  }
0x113: {  	s1 =	simm.s32 $0x18000  }
0x114: {  	[tilespmem:s1], [sflag:$0x1] =	stream.indirect_vreg.gather [hbm4b:s17+s4], $0x80, v2, vm0, $0xb8;
	[tilespmem:$0x1A000] =	vst v63  }
0x115: {  	s30 =	simm.s32 $0x18800  }
0x116: {  	[tilespmem:s30], [sflag:$0x1] =	stream.indirect_vreg.gather [hbm4b:s18+s4], $0x80, v2, vm0, $0xb8;
	[tilespmem:$0x1A000] =	vst v63  }
0x117: {  	s1 =	simm.s32 $0x19000  }
0x118: {  	[tilespmem:s1], [sflag:$0x1] =	stream.indirect_vreg.gather [hbm4b:s19+s4], $0x80, v2, vm0, $0xb8;
	[tilespmem:$0x1A000] =	vst v63  }
0x119: {  	s30 =	simm.s32 $0x19800  }
0x11a: {  	[tilespmem:s30], [sflag:$0x1] =	stream.indirect_vreg.gather [hbm4b:s20+s4], $0x80, v2, vm0, $0xb8;
	[tilespmem:$0x1A000] =	vst v63  }
0x11b: {  	s1 =	sadd.s32 $0x4000, s29;
	_ =	swait.ge [sflag:s2], $0x8000  }
0x11c: {  	s3 =	sand.u32 $0xFFE000, s1;
	[sflag:s2] =	ssyncset.done $0x0  }
0x11d: {  	s3 =	sadd.s32 s3, s25;
	[sflag:s2] =	ssyncadd.s32 $0xFFFF8000;
	s2 =	simm.s32 $0xA000  }
0x11e: {  	[hbm4b:s3+s24] =	stream.strided.scatter [tilespmem:s2], [sflag:$0x2], $0x8000, s22, s24, $0x38;
	[tilespmem:$0x1A000] =	vst v63  }
0x11f: {  	_ =	swait.ge [sflag:s0], $0x8000  }
0x120: {  	[sflag:s0] =	ssyncset.done $0x0  }
0x121: {  	[sflag:s0] =	ssyncadd.s32 $0xFFFF8000  }
0x122: {  	v2 =	vld.msk [tilespmem:s21+$0x0], $0xf;
	_ =	sdelay $0x4  }
0x123: {  	v3 =	vshll.u32 v2, $0x6  }
0x124: {  	v2 =	vand.u32 $0x7, v2;
	v3 =	vand.u32 $0xFFFFFE00, v3  }
0x125: {  	v2 =	vor.u32 v2, v3  }
0x126: {  	v2 =	vperm.xlane v2, v0;
	_ =	sdelay $0x1  }
0x127: {  	v2 =	vadd.s32 v1, v2;
	_ =	sdelay $0x4  }
0x128: {  	[tilespmem:s28], [sflag:$0x1] =	stream.indirect_vreg.gather [hbm4b:s31+s4], $0x80, v2, vm0, $0xb8;
	[tilespmem:$0x1A000] =	vst v63  }
0x129: {  	s25 =	simm.s32 $0x2800  }
0x12a: {  	[tilespmem:s25], [sflag:$0x1] =	stream.indirect_vreg.gather [hbm4b:s6+s4], $0x80, v2, vm0, $0xb8;
	[tilespmem:$0x1A000] =	vst v63  }
0x12b: {  	s28 =	simm.s32 $0x3000  }
0x12c: {  	[tilespmem:s28], [sflag:$0x1] =	stream.indirect_vreg.gather [hbm4b:s7+s4], $0x80, v2, vm0, $0xb8;
	[tilespmem:$0x1A000] =	vst v63  }
0x12d: {  	s29 =	simm.s32 $0x3800  }
0x12e: {  	[tilespmem:s29], [sflag:$0x1] =	stream.indirect_vreg.gather [hbm4b:s8+s4], $0x80, v2, vm0, $0xb8;
	[tilespmem:$0x1A000] =	vst v63  }
0x12f: {  	s24 =	simm.s32 $0x4000  }
0x130: {  	[tilespmem:s24], [sflag:$0x1] =	stream.indirect_vreg.gather [hbm4b:s9+s4], $0x80, v2, vm0, $0xb8;
	[tilespmem:$0x1A000] =	vst v63  }
0x131: {  	s30 =	simm.s32 $0x4800  }
0x132: {  	[tilespmem:s30], [sflag:$0x1] =	stream.indirect_vreg.gather [hbm4b:s10+s4], $0x80, v2, vm0, $0xb8;
	[tilespmem:$0x1A000] =	vst v63  }
0x133: {  	s0 =	simm.s32 $0x5000  }
0x134: {  	[tilespmem:s0], [sflag:$0x1] =	stream.indirect_vreg.gather [hbm4b:s11+s4], $0x80, v2, vm0, $0xb8;
	[tilespmem:$0x1A000] =	vst v63  }
0x135: {  	s2 =	simm.s32 $0x5800  }
0x136: {  	[tilespmem:s2], [sflag:$0x1] =	stream.indirect_vreg.gather [hbm4b:s12+s4], $0x80, v2, vm0, $0xb8;
	[tilespmem:$0x1A000] =	vst v63  }
0x137: {  	s22 =	simm.s32 $0x6000  }
0x138: {  	[tilespmem:s22], [sflag:$0x1] =	stream.indirect_vreg.gather [hbm4b:s13+s4], $0x80, v2, vm0, $0xb8;
	[tilespmem:$0x1A000] =	vst v63  }
0x139: {  	s24 =	simm.s32 $0x6800  }
0x13a: {  	[tilespmem:s24], [sflag:$0x1] =	stream.indirect_vreg.gather [hbm4b:s14+s4], $0x80, v2, vm0, $0xb8;
	[tilespmem:$0x1A000] =	vst v63  }
0x13b: {  	s30 =	simm.s32 $0x7000  }
0x13c: {  	[tilespmem:s30], [sflag:$0x1] =	stream.indirect_vreg.gather [hbm4b:s15+s4], $0x80, v2, vm0, $0xb8;
	[tilespmem:$0x1A000] =	vst v63  }
0x13d: {  	s0 =	simm.s32 $0x7800  }
0x13e: {  	[tilespmem:s0], [sflag:$0x1] =	stream.indirect_vreg.gather [hbm4b:s16+s4], $0x80, v2, vm0, $0xb8;
	[tilespmem:$0x1A000] =	vst v63  }
0x13f: {  	s2 =	simm.s32 $0x8000  }
0x140: {  	[tilespmem:s2], [sflag:$0x1] =	stream.indirect_vreg.gather [hbm4b:s17+s4], $0x80, v2, vm0, $0xb8;
	[tilespmem:$0x1A000] =	vst v63  }
0x141: {  	p0 =	sne.s32 s5, $0x39000;
	s22 =	simm.s32 $0x8800  }
0x142: {  	[tilespmem:s22], [sflag:$0x1] =	stream.indirect_vreg.gather [hbm4b:s18+s4], $0x80, v2, vm0, $0xb8;
	[tilespmem:$0x1A000] =	vst v63  }
.Ltmp0:
0x143: {  	s26 =	sadd.s32 $0x40, s26;
	(pc) =	sbr.rel @p0 .LBB2_2-.Ltmp0, $4  }
0x144: {  	s5 =	sadd.s32 $0x3000, s5;
	s23 =	sadd.s32 $0xC0, s23;
	s24 =	simm.s32 $0x9000  }
0x145: {  	[tilespmem:s24], [sflag:$0x1] =	stream.indirect_vreg.gather [hbm4b:s19+s4], $0x80, v2, vm0, $0xb8;
	[tilespmem:$0x1A000] =	vst v63  }
0x146: {  	s3 =	simm.s32 $0x2000;
	s21 =	sadd.s32 $0x180, s21;
	s30 =	simm.s32 $0x9800  }
0x147: {  	[tilespmem:s30], [sflag:$0x1] =	stream.indirect_vreg.gather [hbm4b:s20+s4], $0x80, v2, vm0, $0xb8;
	[tilespmem:$0x1A000] =	vst v63  }
0x148: {  	s22 =	simm.s32 $0x1  }
0x149: {  	s5 =	simm.s32 $0x200;
	_ =	swait.ge [sflag:s22], $0x8000  }
0x14a: {  	s21 =	simm.s32 $0x400;
	s2 =	simm.s32 $0x12000;
	[sflag:s22] =	ssyncset.done $0x0  }
0x14b: {  	s0 =	simm.s32 $0x2;
	s1 =	rddreg [dreg:$0x8];
	[sflag:s22] =	ssyncadd.s32 $0xFFFF8000  }
0x14c: {  	[hbm4b:s1+s5] =	stream.strided.scatter [tilespmem:s2], [sflag:$0x2], $0x8000, s21, s5, $0x38;
	[tilespmem:$0x1A000] =	vst v63  }
0x14d: {  	_ =	swait.ge [sflag:s0], $0x8000  }
0x14e: {  	[sflag:s0] =	ssyncset.done $0x0  }
0x14f: {  	[sflag:s0] =	ssyncadd.s32 $0xFFFF8000  }
0x150: {  	_ =	swait.ge [sflag:s22], $0x8000  }
0x151: {  	[sflag:s22] =	ssyncset.done $0x0  }
0x152: {  	s24 =	rddreg [dreg:$0x9];
	[sflag:s22] =	ssyncadd.s32 $0xFFFF8000  }
0x153: {  	[hbm4b:s24+s5] =	stream.strided.scatter [tilespmem:s3], [sflag:$0x2], $0x8000, s21, s5, $0x38;
	[tilespmem:$0x1A000] =	vst v63  }
0x154: {  	_ =	swait.ge [sflag:s0], $0x8000  }
0x155: {  	[sflag:s0] =	ssyncset.done $0x0  }
0x156: {  	[sflag:s0] =	ssyncadd.s32 $0xFFFF8000  }
0x157: {  	_ =	swait.ge [sflag:s0], $0x8000  }
0x158: {  	s26 =	rddreg [dreg:$0xb]  }
0x159: {  	s30 =	rddreg [dreg:$0xa];
	s22 =	sadd.s32 $0x1, s26  }
0x15a: {  	p0 =	sne.s32 s22, s30  }
.Ltmp1:
0x15b: {  	_ = 	snop;
	(pc) =	sbr.rel @p0 .LBB2_1-.Ltmp1, $4  }
0x15c: {  	_ = 	snop  }
0x15d: {  	s23 =	simm.s32 $0x5000  }
0x15e: {  	s5 =	simm.s32 $0x4000;
	s21 =	simm.s32 $0x4800;
	[sflag:s0] =	ssyncset.done $0x0  }
0x15f: {  	s3 =	simm.s32 $0x6000;
	[sflag:s0] =	ssyncadd.s32 $0xFFFF8000;
	s26 =	simm.s32 $0x5800  }
0x160: {  	_ =	sfence.sel $0x180000  }
0x161: {  	[bflag:$0x0] =	sbarrier.arrive $0xFFFF  }
0x162: {  	_ =	strace $0x90000047  }
0x163: {  	s0 =	stileid.u32;
	[bflag:$0x2] =	sbarrier.arrive $0xFFFF  }
0x164: {  	p0 =	sne.s32 s0, $0x0;
	s0 =	rddreg [dreg:$0x3]  }
0x165: {  	s0 =	sadd.s32 @!p0 $0x100000, s0  }
0x166: {  	[sflag:s0] =	ssyncadd.tile.s32 @!p0 $0x1;
	_ =	shalt  }
.Lfunc_end2:
_tile_overlayer_lowered:
.L_overlay_start_2:
0x167: {  	(tag) =	ssettag $0x2  }
0x168: {  	s0 =	rddreg [dreg:$0x0];
	s2 =	stileid.u32  }
0x169: {  	s1 =	rddreg [dreg:$0x1];
	p0 =	sne.s32 s2, $0x0  }
0x16a: {  	s3 =	rddreg [dreg:$0x2];
	[bflag:$0x3] =	sbarrier.arrive $0xFFFF;
	s2 =	simm.s32 @!p0 $0x1C03  }
0x16b: {  	[timem:s3], [sflag:s2] =	dma.local @!p0 [hbm:s0], s1  }
0x16c: {  	s0 =	simm.s32 @!p0 $0x3  }
0x16d: {  	_ =	swait.ge @!p0 [sflag:s0], s1  }
0x16e: {  	s1 =	ssub.s32 @!p0 $0x0, s1;
	[sflag:s0] =	ssyncset.done @!p0 $0x0  }
0x16f: {  	[sflag:s0] =	ssyncadd.s32 @!p0 s1  }
0x170: {  	[bflag:$0x3] =	sbarrier.arrive $0xFFFF  }
0x171: {  	_ =	shalt  }

</sc_bundles>
